<compile_context>
chip_gen: v7x
topology: tpu7x:2x2x1
jax: 0.10.2.dev20260603
libtpu: 0.0.44.dev20260713+nightly
codegen_flags: <defaults>
</compile_context>

<pallas_src>
import functools

import jax
import jax.numpy as jnp
from jax import lax
from jax.experimental import pallas as pl
from jax.experimental.pallas import tpu as pltpu
from jax.experimental.pallas import tpu_sc as plsc

_NC = 2
_NS = 16
_NW = _NC * _NS

_CHUNK = 64


@functools.cache
def _make_gather(n_rows: int, d: int):
    assert n_rows % _NW == 0
    n_per_w = n_rows // _NW
    assert n_per_w % _CHUNK == 0
    n_chunks = n_per_w // _CHUNK
    mesh = plsc.VectorSubcoreMesh(core_axis_name="c", subcore_axis_name="s")

    _NBUF = 8
    assert n_chunks % _NBUF == 0
    n_groups = n_chunks // _NBUF

    @functools.partial(
        pl.kernel,
        out_type=jax.ShapeDtypeStruct((n_rows, d), jnp.float32),
        mesh=mesh,
        scratch_types=[
            pltpu.VMEM((n_per_w,), jnp.int32),
            pltpu.VMEM((_NBUF, _CHUNK, d), jnp.float32),
            [pltpu.SemaphoreType.DMA] * _NBUF,
            [pltpu.SemaphoreType.DMA] * _NBUF,
        ],
    )
    def gather_kernel(table_hbm, idx_hbm, out_hbm, idx_v, rows_v, g_sems, w_sems):
        wid = lax.axis_index("s") * _NC + lax.axis_index("c")
        base = wid * n_per_w
        pltpu.sync_copy(idx_hbm.at[pl.ds(base, n_per_w)], idx_v)

        def fire_g(i, buf):
            pltpu.async_copy(
                table_hbm.at[idx_v.at[pl.ds(i * _CHUNK, _CHUNK)]],
                rows_v.at[buf],
                g_sems[buf],
            )

        def drain_g(i, buf):
            pltpu.make_async_copy(
                table_hbm.at[idx_v.at[pl.ds(i * _CHUNK, _CHUNK)]],
                rows_v.at[buf],
                g_sems[buf],
            ).wait()

        def fire_w(i, buf):
            pltpu.async_copy(
                rows_v.at[buf],
                out_hbm.at[pl.ds(base + i * _CHUNK, _CHUNK)],
                w_sems[buf],
            )

        def drain_w(i, buf):
            pltpu.make_async_copy(
                rows_v.at[buf],
                out_hbm.at[pl.ds(base + i * _CHUNK, _CHUNK)],
                w_sems[buf],
            ).wait()

        for i in range(_NBUF - 1):
            fire_g(i, i)

        def step(j, carry):
            i0 = _NBUF * j
            for k in range(_NBUF):
                i = i0 + k
                bp = (k - 1) % _NBUF

                @pl.when(i >= 1)
                def _():
                    drain_w(i - 1, bp)

                @pl.when(i + _NBUF - 1 < n_chunks)
                def _():
                    fire_g(i + _NBUF - 1, bp)

                drain_g(i, k)
                fire_w(i, k)
            return carry

        lax.fori_loop(0, n_groups, step, 0)

        drain_w(n_chunks - 1, (n_chunks - 1) % _NBUF)

    return gather_kernel


def kernel(indices, table):
    b, h = indices.shape
    n_word, d = table.shape
    idx_flat = indices.reshape(-1).astype(jnp.int32)
    out = _make_gather(b * h, d)(table, idx_flat)
    return out.reshape(b, h, d)

# --- scband reference (transcript-rebuilt; emitter-appended) ---
"""Pipeline reference for scband-word-embeddings-59210419142845 (READ-ONLY COPY).

The authoritative reference and input builder live on the scoring server;
editing this copy changes nothing except your own understanding.
"""

import jax, jax.numpy as jnp
import numpy as np

N_WORD = 100000
EMBED_DIM = 128
BATCH = 4096
HIST = 200


def setup_inputs(seed: int = 0) -> dict:
    key = jax.random.key(seed)
    k_idx, k_tab = jax.random.split(key)
    indices = jax.random.randint(k_idx, (BATCH, HIST), 0, N_WORD, dtype=jnp.int64 if jax.config.jax_enable_x64 else jnp.int32)
    table = jax.random.normal(k_tab, (N_WORD, EMBED_DIM), dtype=jnp.float32)
    # nn.Embedding with padding_idx=0 initializes that row to zeros
    table = table.at[0].set(0.0)
    return {"indices": indices, "table": table}


def reference(indices, table):
    # WordEmbeddings forward: self.embedding(indices) -> gather rows
    return jnp.take(table, indices, axis=0)

if __name__ == "__main__":
    import jax
    _d = setup_inputs()
    print(jax.jit(kernel)(*tuple(_d.values())))

</pallas_src>

<mosaic_0001>
#map = affine_map<(d0, d1) -> (0, 0)>
#map1 = affine_map<(d0, d1) -> (0)>
module attributes {stable_mosaic.version = 14 : i64} {
  func.func @gather_kernel(%arg0: i32, %arg1: i32, %arg2: memref<100000x128xf32, #tpu.memory_space<hbm>>, %arg3: memref<819200xi32, #tpu.memory_space<hbm>>, %arg4: memref<819200x128xf32, #tpu.memory_space<hbm>>, %arg5: memref<25600xi32, #tpu.memory_space<vmem>>, %arg6: memref<8x64x128xf32, #tpu.memory_space<vmem>>, %arg7: memref<!tpu.dma_semaphore, #tpu.memory_space<semaphore_mem>>, %arg8: memref<!tpu.dma_semaphore, #tpu.memory_space<semaphore_mem>>, %arg9: memref<!tpu.dma_semaphore, #tpu.memory_space<semaphore_mem>>, %arg10: memref<!tpu.dma_semaphore, #tpu.memory_space<semaphore_mem>>, %arg11: memref<!tpu.dma_semaphore, #tpu.memory_space<semaphore_mem>>, %arg12: memref<!tpu.dma_semaphore, #tpu.memory_space<semaphore_mem>>, %arg13: memref<!tpu.dma_semaphore, #tpu.memory_space<semaphore_mem>>, %arg14: memref<!tpu.dma_semaphore, #tpu.memory_space<semaphore_mem>>, %arg15: memref<!tpu.dma_semaphore, #tpu.memory_space<semaphore_mem>>, %arg16: memref<!tpu.dma_semaphore, #tpu.memory_space<semaphore_mem>>, %arg17: memref<!tpu.dma_semaphore, #tpu.memory_space<semaphore_mem>>, %arg18: memref<!tpu.dma_semaphore, #tpu.memory_space<semaphore_mem>>, %arg19: memref<!tpu.dma_semaphore, #tpu.memory_space<semaphore_mem>>, %arg20: memref<!tpu.dma_semaphore, #tpu.memory_space<semaphore_mem>>, %arg21: memref<!tpu.dma_semaphore, #tpu.memory_space<semaphore_mem>>, %arg22: memref<!tpu.dma_semaphore, #tpu.memory_space<semaphore_mem>>) attributes {dimension_semantics = [#tpu.dimension_semantics<core_parallel>, #tpu.dimension_semantics<subcore_parallel>], iteration_bounds = array<i64: 2, 16>, scalar_prefetch = 0 : i64, scratch_operands = 18 : i64, tpu.core_type = #tpu.core_type<sc_vector_subcore>, window_params = [{transform_indices = #map}, {transform_indices = #map1}, {transform_indices = #map}]} {
    %mul3A = arith.constant 2 : i32
    %mul3A_0 = arith.muli %arg1, %mul3A : i32
    %add3A = arith.addi %mul3A_0, %arg0 : i32
    %mul3A_1 = arith.constant 25600 : i32
    %mul3A_2 = arith.muli %add3A, %mul3A_1 : i32
    "tpu.region"() ({
      %run_scoped3A = tpu.sem_alloc : memref<!tpu.dma_semaphore, #tpu.memory_space<semaphore_mem>>
      %dma_start3A_91 = tpu.memref_slice %arg3[%mul3A_2] : memref<819200xi32, #tpu.memory_space<hbm>> -> memref<25600xi32, #tpu.memory_space<hbm>>
      %dma_start3A_92 = tpu.memref_slice %arg3[%mul3A_2] : memref<819200xi32, #tpu.memory_space<hbm>> -> memref<25600xi32, #tpu.memory_space<hbm>>
      tpu.enqueue_dma source(%dma_start3A_92 : memref<25600xi32, #tpu.memory_space<hbm>>) target(%arg5 : memref<25600xi32, #tpu.memory_space<vmem>>) target_semaphore(%run_scoped3A : memref<!tpu.dma_semaphore, #tpu.memory_space<semaphore_mem>>)
      %dma_wait3A_93 = tpu.memref_slice %arg3[%mul3A_2] : memref<819200xi32, #tpu.memory_space<hbm>> -> memref<25600xi32, #tpu.memory_space<hbm>>
      %dma_wait3A_94 = tpu.memref_slice %arg3[%mul3A_2] : memref<819200xi32, #tpu.memory_space<hbm>> -> memref<25600xi32, #tpu.memory_space<hbm>>
      tpu.wait_dma2 semaphore(%run_scoped3A : memref<!tpu.dma_semaphore, #tpu.memory_space<semaphore_mem>>) src(%dma_wait3A_94 : memref<25600xi32, #tpu.memory_space<hbm>>) dst(%arg5 : memref<25600xi32, #tpu.memory_space<vmem>>)
      tpu.yield
    }) : () -> ()
    %dma_start3A = arith.constant 0 : i32
    %dma_start3A_3 = arith.constant 0 : i32
    %dma_start3A_4 = arith.constant 0 : i32
    %dma_start3A_5 = tpu.memref_slice %arg6[%dma_start3A, %dma_start3A_3, %dma_start3A_4] : memref<8x64x128xf32, #tpu.memory_space<vmem>> -> memref<1x64x128xf32, #tpu.memory_space<vmem>>
    %dma_start3A_6 = tpu.memref_squeeze %dma_start3A_5 : memref<1x64x128xf32, #tpu.memory_space<vmem>> -> memref<64x128xf32, #tpu.memory_space<vmem>>
    %dma_start3A_7 = arith.constant 0 : i32
    %dma_start3A_8 = tpu.memref_slice %arg5[%dma_start3A_7] : memref<25600xi32, #tpu.memory_space<vmem>> -> memref<64xi32, #tpu.memory_space<vmem>>
    %dma_start3A_9 = arith.constant 0 : i32
    %dma_start3A_10 = arith.constant 0 : i32
    %dma_start3A_11 = tpu.memref_slice %arg2[%dma_start3A_9, %dma_start3A_10] : memref<100000x128xf32, #tpu.memory_space<hbm>> -> memref<100000x128xf32, #tpu.memory_space<hbm>>
    tpu.enqueue_indirect_dma source(%dma_start3A_11 : memref<100000x128xf32, #tpu.memory_space<hbm>>) target(%dma_start3A_6 : memref<64x128xf32, #tpu.memory_space<vmem>>) offsets(%dma_start3A_8 : memref<64xi32, #tpu.memory_space<vmem>>) semaphore(%arg7 : memref<!tpu.dma_semaphore, #tpu.memory_space<semaphore_mem>>)
    %dma_start3A_12 = arith.constant 1 : i32
    %dma_start3A_13 = arith.constant 0 : i32
    %dma_start3A_14 = arith.constant 0 : i32
    %dma_start3A_15 = tpu.memref_slice %arg6[%dma_start3A_12, %dma_start3A_13, %dma_start3A_14] : memref<8x64x128xf32, #tpu.memory_space<vmem>> -> memref<1x64x128xf32, #tpu.memory_space<vmem>>
    %dma_start3A_16 = tpu.memref_squeeze %dma_start3A_15 : memref<1x64x128xf32, #tpu.memory_space<vmem>> -> memref<64x128xf32, #tpu.memory_space<vmem>>
    %dma_start3A_17 = arith.constant 64 : i32
    %dma_start3A_18 = tpu.memref_slice %arg5[%dma_start3A_17] : memref<25600xi32, #tpu.memory_space<vmem>> -> memref<64xi32, #tpu.memory_space<vmem>>
    %dma_start3A_19 = arith.constant 0 : i32
    %dma_start3A_20 = arith.constant 0 : i32
    %dma_start3A_21 = tpu.memref_slice %arg2[%dma_start3A_19, %dma_start3A_20] : memref<100000x128xf32, #tpu.memory_space<hbm>> -> memref<100000x128xf32, #tpu.memory_space<hbm>>
    tpu.enqueue_indirect_dma source(%dma_start3A_21 : memref<100000x128xf32, #tpu.memory_space<hbm>>) target(%dma_start3A_16 : memref<64x128xf32, #tpu.memory_space<vmem>>) offsets(%dma_start3A_18 : memref<64xi32, #tpu.memory_space<vmem>>) semaphore(%arg8 : memref<!tpu.dma_semaphore, #tpu.memory_space<semaphore_mem>>)
    %dma_start3A_22 = arith.constant 2 : i32
    %dma_start3A_23 = arith.constant 0 : i32
    %dma_start3A_24 = arith.constant 0 : i32
    %dma_start3A_25 = tpu.memref_slice %arg6[%dma_start3A_22, %dma_start3A_23, %dma_start3A_24] : memref<8x64x128xf32, #tpu.memory_space<vmem>> -> memref<1x64x128xf32, #tpu.memory_space<vmem>>
    %dma_start3A_26 = tpu.memref_squeeze %dma_start3A_25 : memref<1x64x128xf32, #tpu.memory_space<vmem>> -> memref<64x128xf32, #tpu.memory_space<vmem>>
    %dma_start3A_27 = arith.constant 128 : i32
    %dma_start3A_28 = tpu.memref_slice %arg5[%dma_start3A_27] : memref<25600xi32, #tpu.memory_space<vmem>> -> memref<64xi32, #tpu.memory_space<vmem>>
    %dma_start3A_29 = arith.constant 0 : i32
    %dma_start3A_30 = arith.constant 0 : i32
    %dma_start3A_31 = tpu.memref_slice %arg2[%dma_start3A_29, %dma_start3A_30] : memref<100000x128xf32, #tpu.memory_space<hbm>> -> memref<100000x128xf32, #tpu.memory_space<hbm>>
    tpu.enqueue_indirect_dma source(%dma_start3A_31 : memref<100000x128xf32, #tpu.memory_space<hbm>>) target(%dma_start3A_26 : memref<64x128xf32, #tpu.memory_space<vmem>>) offsets(%dma_start3A_28 : memref<64xi32, #tpu.memory_space<vmem>>) semaphore(%arg9 : memref<!tpu.dma_semaphore, #tpu.memory_space<semaphore_mem>>)
    %dma_start3A_32 = arith.constant 3 : i32
    %dma_start3A_33 = arith.constant 0 : i32
    %dma_start3A_34 = arith.constant 0 : i32
    %dma_start3A_35 = tpu.memref_slice %arg6[%dma_start3A_32, %dma_start3A_33, %dma_start3A_34] : memref<8x64x128xf32, #tpu.memory_space<vmem>> -> memref<1x64x128xf32, #tpu.memory_space<vmem>>
    %dma_start3A_36 = tpu.memref_squeeze %dma_start3A_35 : memref<1x64x128xf32, #tpu.memory_space<vmem>> -> memref<64x128xf32, #tpu.memory_space<vmem>>
    %dma_start3A_37 = arith.constant 192 : i32
    %dma_start3A_38 = tpu.memref_slice %arg5[%dma_start3A_37] : memref<25600xi32, #tpu.memory_space<vmem>> -> memref<64xi32, #tpu.memory_space<vmem>>
    %dma_start3A_39 = arith.constant 0 : i32
    %dma_start3A_40 = arith.constant 0 : i32
    %dma_start3A_41 = tpu.memref_slice %arg2[%dma_start3A_39, %dma_start3A_40] : memref<100000x128xf32, #tpu.memory_space<hbm>> -> memref<100000x128xf32, #tpu.memory_space<hbm>>
    tpu.enqueue_indirect_dma source(%dma_start3A_41 : memref<100000x128xf32, #tpu.memory_space<hbm>>) target(%dma_start3A_36 : memref<64x128xf32, #tpu.memory_space<vmem>>) offsets(%dma_start3A_38 : memref<64xi32, #tpu.memory_space<vmem>>) semaphore(%arg10 : memref<!tpu.dma_semaphore, #tpu.memory_space<semaphore_mem>>)
    %dma_start3A_42 = arith.constant 4 : i32
    %dma_start3A_43 = arith.constant 0 : i32
    %dma_start3A_44 = arith.constant 0 : i32
    %dma_start3A_45 = tpu.memref_slice %arg6[%dma_start3A_42, %dma_start3A_43, %dma_start3A_44] : memref<8x64x128xf32, #tpu.memory_space<vmem>> -> memref<1x64x128xf32, #tpu.memory_space<vmem>>
    %dma_start3A_46 = tpu.memref_squeeze %dma_start3A_45 : memref<1x64x128xf32, #tpu.memory_space<vmem>> -> memref<64x128xf32, #tpu.memory_space<vmem>>
    %dma_start3A_47 = arith.constant 256 : i32
    %dma_start3A_48 = tpu.memref_slice %arg5[%dma_start3A_47] : memref<25600xi32, #tpu.memory_space<vmem>> -> memref<64xi32, #tpu.memory_space<vmem>>
    %dma_start3A_49 = arith.constant 0 : i32
    %dma_start3A_50 = arith.constant 0 : i32
    %dma_start3A_51 = tpu.memref_slice %arg2[%dma_start3A_49, %dma_start3A_50] : memref<100000x128xf32, #tpu.memory_space<hbm>> -> memref<100000x128xf32, #tpu.memory_space<hbm>>
    tpu.enqueue_indirect_dma source(%dma_start3A_51 : memref<100000x128xf32, #tpu.memory_space<hbm>>) target(%dma_start3A_46 : memref<64x128xf32, #tpu.memory_space<vmem>>) offsets(%dma_start3A_48 : memref<64xi32, #tpu.memory_space<vmem>>) semaphore(%arg11 : memref<!tpu.dma_semaphore, #tpu.memory_space<semaphore_mem>>)
    %dma_start3A_52 = arith.constant 5 : i32
    %dma_start3A_53 = arith.constant 0 : i32
    %dma_start3A_54 = arith.constant 0 : i32
    %dma_start3A_55 = tpu.memref_slice %arg6[%dma_start3A_52, %dma_start3A_53, %dma_start3A_54] : memref<8x64x128xf32, #tpu.memory_space<vmem>> -> memref<1x64x128xf32, #tpu.memory_space<vmem>>
    %dma_start3A_56 = tpu.memref_squeeze %dma_start3A_55 : memref<1x64x128xf32, #tpu.memory_space<vmem>> -> memref<64x128xf32, #tpu.memory_space<vmem>>
    %dma_start3A_57 = arith.constant 320 : i32
    %dma_start3A_58 = tpu.memref_slice %arg5[%dma_start3A_57] : memref<25600xi32, #tpu.memory_space<vmem>> -> memref<64xi32, #tpu.memory_space<vmem>>
    %dma_start3A_59 = arith.constant 0 : i32
    %dma_start3A_60 = arith.constant 0 : i32
    %dma_start3A_61 = tpu.memref_slice %arg2[%dma_start3A_59, %dma_start3A_60] : memref<100000x128xf32, #tpu.memory_space<hbm>> -> memref<100000x128xf32, #tpu.memory_space<hbm>>
    tpu.enqueue_indirect_dma source(%dma_start3A_61 : memref<100000x128xf32, #tpu.memory_space<hbm>>) target(%dma_start3A_56 : memref<64x128xf32, #tpu.memory_space<vmem>>) offsets(%dma_start3A_58 : memref<64xi32, #tpu.memory_space<vmem>>) semaphore(%arg12 : memref<!tpu.dma_semaphore, #tpu.memory_space<semaphore_mem>>)
    %dma_start3A_62 = arith.constant 6 : i32
    %dma_start3A_63 = arith.constant 0 : i32
    %dma_start3A_64 = arith.constant 0 : i32
    %dma_start3A_65 = tpu.memref_slice %arg6[%dma_start3A_62, %dma_start3A_63, %dma_start3A_64] : memref<8x64x128xf32, #tpu.memory_space<vmem>> -> memref<1x64x128xf32, #tpu.memory_space<vmem>>
    %dma_start3A_66 = tpu.memref_squeeze %dma_start3A_65 : memref<1x64x128xf32, #tpu.memory_space<vmem>> -> memref<64x128xf32, #tpu.memory_space<vmem>>
    %dma_start3A_67 = arith.constant 384 : i32
    %dma_start3A_68 = tpu.memref_slice %arg5[%dma_start3A_67] : memref<25600xi32, #tpu.memory_space<vmem>> -> memref<64xi32, #tpu.memory_space<vmem>>
    %dma_start3A_69 = arith.constant 0 : i32
    %dma_start3A_70 = arith.constant 0 : i32
    %dma_start3A_71 = tpu.memref_slice %arg2[%dma_start3A_69, %dma_start3A_70] : memref<100000x128xf32, #tpu.memory_space<hbm>> -> memref<100000x128xf32, #tpu.memory_space<hbm>>
    tpu.enqueue_indirect_dma source(%dma_start3A_71 : memref<100000x128xf32, #tpu.memory_space<hbm>>) target(%dma_start3A_66 : memref<64x128xf32, #tpu.memory_space<vmem>>) offsets(%dma_start3A_68 : memref<64xi32, #tpu.memory_space<vmem>>) semaphore(%arg13 : memref<!tpu.dma_semaphore, #tpu.memory_space<semaphore_mem>>)
    %scan3A = arith.constant 0 : i32
    %scan3A_72 = arith.constant 0 : i32
    %scan3A_73 = arith.constant 50 : i32
    %scan3A_74 = arith.addi %scan3A_72, %scan3A_73 : i32
    %scan3A_75 = arith.constant 1 : i32
    scf.for %scan3A_91 = %scan3A_72 to %scan3A_74 step %scan3A_75  : i32 {
      %mul3A_92 = arith.constant 8 : i32
      %mul3A_93 = arith.muli %mul3A_92, %scan3A_91 : i32
      %add3A_94 = arith.constant 0 : i32
      %add3A_95 = arith.addi %mul3A_93, %add3A_94 : i32
      %ge3A = arith.constant 1 : i32
      %ge3A_96 = arith.cmpi sge, %add3A_95, %ge3A : i32
      %convert_element_type3A = arith.extui %ge3A_96 : i1 to i32
      %cond3A = arith.constant 0 : i32
      %cond3A_97 = arith.cmpi ne, %convert_element_type3A, %cond3A : i32
      scf.if %cond3A_97 {
        %sub3A_433 = arith.constant 1 : i32
        %sub3A_434 = arith.subi %add3A_95, %sub3A_433 : i32
        %mul3A_435 = arith.constant 64 : i32
        %mul3A_436 = arith.muli %sub3A_434, %mul3A_435 : i32
        %add3A_437 = arith.addi %mul3A_2, %mul3A_436 : i32
        %dma_wait3A_438 = arith.constant 7 : i32
        %dma_wait3A_439 = arith.constant 0 : i32
        %dma_wait3A_440 = arith.constant 0 : i32
        %dma_wait3A_441 = tpu.memref_slice %arg6[%dma_wait3A_438, %dma_wait3A_439, %dma_wait3A_440] : memref<8x64x128xf32, #tpu.memory_space<vmem>> -> memref<1x64x128xf32, #tpu.memory_space<vmem>>
        %dma_wait3A_442 = tpu.memref_squeeze %dma_wait3A_441 : memref<1x64x128xf32, #tpu.memory_space<vmem>> -> memref<64x128xf32, #tpu.memory_space<vmem>>
        %dma_wait3A_443 = arith.constant 0 : i32
        %dma_wait3A_444 = tpu.memref_slice %arg4[%add3A_437, %dma_wait3A_443] : memref<819200x128xf32, #tpu.memory_space<hbm>> -> memref<64x128xf32, #tpu.memory_space<hbm>>
        %dma_wait3A_445 = arith.constant 0 : i32
        %dma_wait3A_446 = tpu.memref_slice %arg4[%add3A_437, %dma_wait3A_445] : memref<819200x128xf32, #tpu.memory_space<hbm>> -> memref<64x128xf32, #tpu.memory_space<hbm>>
        %dma_wait3A_447 = arith.constant 0 : i32
        %dma_wait3A_448 = arith.constant 0 : i32
        %dma_wait3A_449 = tpu.memref_slice %arg6[%dma_wait3A_438, %dma_wait3A_447, %dma_wait3A_448] : memref<8x64x128xf32, #tpu.memory_space<vmem>> -> memref<1x64x128xf32, #tpu.memory_space<vmem>>
        %dma_wait3A_450 = tpu.memref_squeeze %dma_wait3A_449 : memref<1x64x128xf32, #tpu.memory_space<vmem>> -> memref<64x128xf32, #tpu.memory_space<vmem>>
        tpu.wait_dma2 semaphore(%arg22 : memref<!tpu.dma_semaphore, #tpu.memory_space<semaphore_mem>>) src(%dma_wait3A_450 : memref<64x128xf32, #tpu.memory_space<vmem>>) dst(%dma_wait3A_446 : memref<64x128xf32, #tpu.memory_space<hbm>>)
      } else {
      }
      %add3A_98 = arith.constant 8 : i32
      %add3A_99 = arith.addi %add3A_95, %add3A_98 : i32
      %sub3A = arith.constant 1 : i32
      %sub3A_100 = arith.subi %add3A_99, %sub3A : i32
      %lt3A = arith.constant 400 : i32
      %lt3A_101 = arith.cmpi slt, %sub3A_100, %lt3A : i32
      %convert_element_type3A_102 = arith.extui %lt3A_101 : i1 to i32
      %cond3A_103 = arith.constant 0 : i32
      %cond3A_104 = arith.cmpi ne, %convert_element_type3A_102, %cond3A_103 : i32
      scf.if %cond3A_104 {
        %add3A_433 = arith.constant 8 : i32
        %add3A_434 = arith.addi %add3A_95, %add3A_433 : i32
        %sub3A_435 = arith.constant 1 : i32
        %sub3A_436 = arith.subi %add3A_434, %sub3A_435 : i32
        %mul3A_437 = arith.constant 64 : i32
        %mul3A_438 = arith.muli %sub3A_436, %mul3A_437 : i32
        %dma_start3A_439 = arith.constant 7 : i32
        %dma_start3A_440 = arith.constant 0 : i32
        %dma_start3A_441 = arith.constant 0 : i32
        %dma_start3A_442 = tpu.memref_slice %arg6[%dma_start3A_439, %dma_start3A_440, %dma_start3A_441] : memref<8x64x128xf32, #tpu.memory_space<vmem>> -> memref<1x64x128xf32, #tpu.memory_space<vmem>>
        %dma_start3A_443 = tpu.memref_squeeze %dma_start3A_442 : memref<1x64x128xf32, #tpu.memory_space<vmem>> -> memref<64x128xf32, #tpu.memory_space<vmem>>
        %dma_start3A_444 = tpu.memref_slice %arg5[%mul3A_438] : memref<25600xi32, #tpu.memory_space<vmem>> -> memref<64xi32, #tpu.memory_space<vmem>>
        %dma_start3A_445 = arith.constant 0 : i32
        %dma_start3A_446 = arith.constant 0 : i32
        %dma_start3A_447 = tpu.memref_slice %arg2[%dma_start3A_445, %dma_start3A_446] : memref<100000x128xf32, #tpu.memory_space<hbm>> -> memref<100000x128xf32, #tpu.memory_space<hbm>>
        tpu.enqueue_indirect_dma source(%dma_start3A_447 : memref<100000x128xf32, #tpu.memory_space<hbm>>) target(%dma_start3A_443 : memref<64x128xf32, #tpu.memory_space<vmem>>) offsets(%dma_start3A_444 : memref<64xi32, #tpu.memory_space<vmem>>) semaphore(%arg14 : memref<!tpu.dma_semaphore, #tpu.memory_space<semaphore_mem>>)
      } else {
      }
      %mul3A_105 = arith.constant 64 : i32
      %mul3A_106 = arith.muli %add3A_95, %mul3A_105 : i32
      %dma_wait3A_107 = arith.constant 0 : i32
      %dma_wait3A_108 = arith.constant 0 : i32
      %dma_wait3A_109 = arith.constant 0 : i32
      %dma_wait3A_110 = tpu.memref_slice %arg6[%dma_wait3A_107, %dma_wait3A_108, %dma_wait3A_109] : memref<8x64x128xf32, #tpu.memory_space<vmem>> -> memref<1x64x128xf32, #tpu.memory_space<vmem>>
      %dma_wait3A_111 = tpu.memref_squeeze %dma_wait3A_110 : memref<1x64x128xf32, #tpu.memory_space<vmem>> -> memref<64x128xf32, #tpu.memory_space<vmem>>
      %dma_wait3A_112 = tpu.memref_slice %arg5[%mul3A_106] : memref<25600xi32, #tpu.memory_space<vmem>> -> memref<64xi32, #tpu.memory_space<vmem>>
      %dma_wait3A_113 = arith.constant 0 : i32
      %dma_wait3A_114 = arith.constant 0 : i32
      %dma_wait3A_115 = tpu.memref_slice %arg2[%dma_wait3A_113, %dma_wait3A_114] : memref<100000x128xf32, #tpu.memory_space<hbm>> -> memref<100000x128xf32, #tpu.memory_space<hbm>>
      tpu.wait_indirect_dma semaphore(%arg7 : memref<!tpu.dma_semaphore, #tpu.memory_space<semaphore_mem>>) src(%dma_wait3A_115 : memref<100000x128xf32, #tpu.memory_space<hbm>>) dst(%dma_wait3A_111 : memref<64x128xf32, #tpu.memory_space<vmem>>)
      %mul3A_116 = arith.constant 64 : i32
      %mul3A_117 = arith.muli %add3A_95, %mul3A_116 : i32
      %add3A_118 = arith.addi %mul3A_2, %mul3A_117 : i32
      %dma_start3A_119 = arith.constant 0 : i32
      %dma_start3A_120 = arith.constant 0 : i32
      %dma_start3A_121 = arith.constant 0 : i32
      %dma_start3A_122 = tpu.memref_slice %arg6[%dma_start3A_119, %dma_start3A_120, %dma_start3A_121] : memref<8x64x128xf32, #tpu.memory_space<vmem>> -> memref<1x64x128xf32, #tpu.memory_space<vmem>>
      %dma_start3A_123 = tpu.memref_squeeze %dma_start3A_122 : memref<1x64x128xf32, #tpu.memory_space<vmem>> -> memref<64x128xf32, #tpu.memory_space<vmem>>
      %dma_start3A_124 = arith.constant 0 : i32
      %dma_start3A_125 = tpu.memref_slice %arg4[%add3A_118, %dma_start3A_124] : memref<819200x128xf32, #tpu.memory_space<hbm>> -> memref<64x128xf32, #tpu.memory_space<hbm>>
      %dma_start3A_126 = arith.constant 0 : i32
      %dma_start3A_127 = tpu.memref_slice %arg4[%add3A_118, %dma_start3A_126] : memref<819200x128xf32, #tpu.memory_space<hbm>> -> memref<64x128xf32, #tpu.memory_space<hbm>>
      %dma_start3A_128 = arith.constant 0 : i32
      %dma_start3A_129 = arith.constant 0 : i32
      %dma_start3A_130 = tpu.memref_slice %arg6[%dma_start3A_119, %dma_start3A_128, %dma_start3A_129] : memref<8x64x128xf32, #tpu.memory_space<vmem>> -> memref<1x64x128xf32, #tpu.memory_space<vmem>>
      %dma_start3A_131 = tpu.memref_squeeze %dma_start3A_130 : memref<1x64x128xf32, #tpu.memory_space<vmem>> -> memref<64x128xf32, #tpu.memory_space<vmem>>
      tpu.enqueue_dma source(%dma_start3A_131 : memref<64x128xf32, #tpu.memory_space<vmem>>) target(%dma_start3A_127 : memref<64x128xf32, #tpu.memory_space<hbm>>) target_semaphore(%arg15 : memref<!tpu.dma_semaphore, #tpu.memory_space<semaphore_mem>>)
      %add3A_132 = arith.constant 1 : i32
      %add3A_133 = arith.addi %mul3A_93, %add3A_132 : i32
      %ge3A_134 = arith.constant 1 : i32
      %ge3A_135 = arith.cmpi sge, %add3A_133, %ge3A_134 : i32
      %convert_element_type3A_136 = arith.extui %ge3A_135 : i1 to i32
      %cond3A_137 = arith.constant 0 : i32
      %cond3A_138 = arith.cmpi ne, %convert_element_type3A_136, %cond3A_137 : i32
      scf.if %cond3A_138 {
        %sub3A_433 = arith.constant 1 : i32
        %sub3A_434 = arith.subi %add3A_133, %sub3A_433 : i32
        %mul3A_435 = arith.constant 64 : i32
        %mul3A_436 = arith.muli %sub3A_434, %mul3A_435 : i32
        %add3A_437 = arith.addi %mul3A_2, %mul3A_436 : i32
        %dma_wait3A_438 = arith.constant 0 : i32
        %dma_wait3A_439 = arith.constant 0 : i32
        %dma_wait3A_440 = arith.constant 0 : i32
        %dma_wait3A_441 = tpu.memref_slice %arg6[%dma_wait3A_438, %dma_wait3A_439, %dma_wait3A_440] : memref<8x64x128xf32, #tpu.memory_space<vmem>> -> memref<1x64x128xf32, #tpu.memory_space<vmem>>
        %dma_wait3A_442 = tpu.memref_squeeze %dma_wait3A_441 : memref<1x64x128xf32, #tpu.memory_space<vmem>> -> memref<64x128xf32, #tpu.memory_space<vmem>>
        %dma_wait3A_443 = arith.constant 0 : i32
        %dma_wait3A_444 = tpu.memref_slice %arg4[%add3A_437, %dma_wait3A_443] : memref<819200x128xf32, #tpu.memory_space<hbm>> -> memref<64x128xf32, #tpu.memory_space<hbm>>
        %dma_wait3A_445 = arith.constant 0 : i32
        %dma_wait3A_446 = tpu.memref_slice %arg4[%add3A_437, %dma_wait3A_445] : memref<819200x128xf32, #tpu.memory_space<hbm>> -> memref<64x128xf32, #tpu.memory_space<hbm>>
        %dma_wait3A_447 = arith.constant 0 : i32
        %dma_wait3A_448 = arith.constant 0 : i32
        %dma_wait3A_449 = tpu.memref_slice %arg6[%dma_wait3A_438, %dma_wait3A_447, %dma_wait3A_448] : memref<8x64x128xf32, #tpu.memory_space<vmem>> -> memref<1x64x128xf32, #tpu.memory_space<vmem>>
        %dma_wait3A_450 = tpu.memref_squeeze %dma_wait3A_449 : memref<1x64x128xf32, #tpu.memory_space<vmem>> -> memref<64x128xf32, #tpu.memory_space<vmem>>
        tpu.wait_dma2 semaphore(%arg15 : memref<!tpu.dma_semaphore, #tpu.memory_space<semaphore_mem>>) src(%dma_wait3A_450 : memref<64x128xf32, #tpu.memory_space<vmem>>) dst(%dma_wait3A_446 : memref<64x128xf32, #tpu.memory_space<hbm>>)
      } else {
      }
      %add3A_139 = arith.constant 8 : i32
      %add3A_140 = arith.addi %add3A_133, %add3A_139 : i32
      %sub3A_141 = arith.constant 1 : i32
      %sub3A_142 = arith.subi %add3A_140, %sub3A_141 : i32
      %lt3A_143 = arith.constant 400 : i32
      %lt3A_144 = arith.cmpi slt, %sub3A_142, %lt3A_143 : i32
      %convert_element_type3A_145 = arith.extui %lt3A_144 : i1 to i32
      %cond3A_146 = arith.constant 0 : i32
      %cond3A_147 = arith.cmpi ne, %convert_element_type3A_145, %cond3A_146 : i32
      scf.if %cond3A_147 {
        %add3A_433 = arith.constant 8 : i32
        %add3A_434 = arith.addi %add3A_133, %add3A_433 : i32
        %sub3A_435 = arith.constant 1 : i32
        %sub3A_436 = arith.subi %add3A_434, %sub3A_435 : i32
        %mul3A_437 = arith.constant 64 : i32
        %mul3A_438 = arith.muli %sub3A_436, %mul3A_437 : i32
        %dma_start3A_439 = arith.constant 0 : i32
        %dma_start3A_440 = arith.constant 0 : i32
        %dma_start3A_441 = arith.constant 0 : i32
        %dma_start3A_442 = tpu.memref_slice %arg6[%dma_start3A_439, %dma_start3A_440, %dma_start3A_441] : memref<8x64x128xf32, #tpu.memory_space<vmem>> -> memref<1x64x128xf32, #tpu.memory_space<vmem>>
        %dma_start3A_443 = tpu.memref_squeeze %dma_start3A_442 : memref<1x64x128xf32, #tpu.memory_space<vmem>> -> memref<64x128xf32, #tpu.memory_space<vmem>>
        %dma_start3A_444 = tpu.memref_slice %arg5[%mul3A_438] : memref<25600xi32, #tpu.memory_space<vmem>> -> memref<64xi32, #tpu.memory_space<vmem>>
        %dma_start3A_445 = arith.constant 0 : i32
        %dma_start3A_446 = arith.constant 0 : i32
        %dma_start3A_447 = tpu.memref_slice %arg2[%dma_start3A_445, %dma_start3A_446] : memref<100000x128xf32, #tpu.memory_space<hbm>> -> memref<100000x128xf32, #tpu.memory_space<hbm>>
        tpu.enqueue_indirect_dma source(%dma_start3A_447 : memref<100000x128xf32, #tpu.memory_space<hbm>>) target(%dma_start3A_443 : memref<64x128xf32, #tpu.memory_space<vmem>>) offsets(%dma_start3A_444 : memref<64xi32, #tpu.memory_space<vmem>>) semaphore(%arg7 : memref<!tpu.dma_semaphore, #tpu.memory_space<semaphore_mem>>)
      } else {
      }
      %mul3A_148 = arith.constant 64 : i32
      %mul3A_149 = arith.muli %add3A_133, %mul3A_148 : i32
      %dma_wait3A_150 = arith.constant 1 : i32
      %dma_wait3A_151 = arith.constant 0 : i32
      %dma_wait3A_152 = arith.constant 0 : i32
      %dma_wait3A_153 = tpu.memref_slice %arg6[%dma_wait3A_150, %dma_wait3A_151, %dma_wait3A_152] : memref<8x64x128xf32, #tpu.memory_space<vmem>> -> memref<1x64x128xf32, #tpu.memory_space<vmem>>
      %dma_wait3A_154 = tpu.memref_squeeze %dma_wait3A_153 : memref<1x64x128xf32, #tpu.memory_space<vmem>> -> memref<64x128xf32, #tpu.memory_space<vmem>>
      %dma_wait3A_155 = tpu.memref_slice %arg5[%mul3A_149] : memref<25600xi32, #tpu.memory_space<vmem>> -> memref<64xi32, #tpu.memory_space<vmem>>
      %dma_wait3A_156 = arith.constant 0 : i32
      %dma_wait3A_157 = arith.constant 0 : i32
      %dma_wait3A_158 = tpu.memref_slice %arg2[%dma_wait3A_156, %dma_wait3A_157] : memref<100000x128xf32, #tpu.memory_space<hbm>> -> memref<100000x128xf32, #tpu.memory_space<hbm>>
      tpu.wait_indirect_dma semaphore(%arg8 : memref<!tpu.dma_semaphore, #tpu.memory_space<semaphore_mem>>) src(%dma_wait3A_158 : memref<100000x128xf32, #tpu.memory_space<hbm>>) dst(%dma_wait3A_154 : memref<64x128xf32, #tpu.memory_space<vmem>>)
      %mul3A_159 = arith.constant 64 : i32
      %mul3A_160 = arith.muli %add3A_133, %mul3A_159 : i32
      %add3A_161 = arith.addi %mul3A_2, %mul3A_160 : i32
      %dma_start3A_162 = arith.constant 1 : i32
      %dma_start3A_163 = arith.constant 0 : i32
      %dma_start3A_164 = arith.constant 0 : i32
      %dma_start3A_165 = tpu.memref_slice %arg6[%dma_start3A_162, %dma_start3A_163, %dma_start3A_164] : memref<8x64x128xf32, #tpu.memory_space<vmem>> -> memref<1x64x128xf32, #tpu.memory_space<vmem>>
      %dma_start3A_166 = tpu.memref_squeeze %dma_start3A_165 : memref<1x64x128xf32, #tpu.memory_space<vmem>> -> memref<64x128xf32, #tpu.memory_space<vmem>>
      %dma_start3A_167 = arith.constant 0 : i32
      %dma_start3A_168 = tpu.memref_slice %arg4[%add3A_161, %dma_start3A_167] : memref<819200x128xf32, #tpu.memory_space<hbm>> -> memref<64x128xf32, #tpu.memory_space<hbm>>
      %dma_start3A_169 = arith.constant 0 : i32
      %dma_start3A_170 = tpu.memref_slice %arg4[%add3A_161, %dma_start3A_169] : memref<819200x128xf32, #tpu.memory_space<hbm>> -> memref<64x128xf32, #tpu.memory_space<hbm>>
      %dma_start3A_171 = arith.constant 0 : i32
      %dma_start3A_172 = arith.constant 0 : i32
      %dma_start3A_173 = tpu.memref_slice %arg6[%dma_start3A_162, %dma_start3A_171, %dma_start3A_172] : memref<8x64x128xf32, #tpu.memory_space<vmem>> -> memref<1x64x128xf32, #tpu.memory_space<vmem>>
      %dma_start3A_174 = tpu.memref_squeeze %dma_start3A_173 : memref<1x64x128xf32, #tpu.memory_space<vmem>> -> memref<64x128xf32, #tpu.memory_space<vmem>>
      tpu.enqueue_dma source(%dma_start3A_174 : memref<64x128xf32, #tpu.memory_space<vmem>>) target(%dma_start3A_170 : memref<64x128xf32, #tpu.memory_space<hbm>>) target_semaphore(%arg16 : memref<!tpu.dma_semaphore, #tpu.memory_space<semaphore_mem>>)
      %add3A_175 = arith.constant 2 : i32
      %add3A_176 = arith.addi %mul3A_93, %add3A_175 : i32
      %ge3A_177 = arith.constant 1 : i32
      %ge3A_178 = arith.cmpi sge, %add3A_176, %ge3A_177 : i32
      %convert_element_type3A_179 = arith.extui %ge3A_178 : i1 to i32
      %cond3A_180 = arith.constant 0 : i32
      %cond3A_181 = arith.cmpi ne, %convert_element_type3A_179, %cond3A_180 : i32
      scf.if %cond3A_181 {
        %sub3A_433 = arith.constant 1 : i32
        %sub3A_434 = arith.subi %add3A_176, %sub3A_433 : i32
        %mul3A_435 = arith.constant 64 : i32
        %mul3A_436 = arith.muli %sub3A_434, %mul3A_435 : i32
        %add3A_437 = arith.addi %mul3A_2, %mul3A_436 : i32
        %dma_wait3A_438 = arith.constant 1 : i32
        %dma_wait3A_439 = arith.constant 0 : i32
        %dma_wait3A_440 = arith.constant 0 : i32
        %dma_wait3A_441 = tpu.memref_slice %arg6[%dma_wait3A_438, %dma_wait3A_439, %dma_wait3A_440] : memref<8x64x128xf32, #tpu.memory_space<vmem>> -> memref<1x64x128xf32, #tpu.memory_space<vmem>>
        %dma_wait3A_442 = tpu.memref_squeeze %dma_wait3A_441 : memref<1x64x128xf32, #tpu.memory_space<vmem>> -> memref<64x128xf32, #tpu.memory_space<vmem>>
        %dma_wait3A_443 = arith.constant 0 : i32
        %dma_wait3A_444 = tpu.memref_slice %arg4[%add3A_437, %dma_wait3A_443] : memref<819200x128xf32, #tpu.memory_space<hbm>> -> memref<64x128xf32, #tpu.memory_space<hbm>>
        %dma_wait3A_445 = arith.constant 0 : i32
        %dma_wait3A_446 = tpu.memref_slice %arg4[%add3A_437, %dma_wait3A_445] : memref<819200x128xf32, #tpu.memory_space<hbm>> -> memref<64x128xf32, #tpu.memory_space<hbm>>
        %dma_wait3A_447 = arith.constant 0 : i32
        %dma_wait3A_448 = arith.constant 0 : i32
        %dma_wait3A_449 = tpu.memref_slice %arg6[%dma_wait3A_438, %dma_wait3A_447, %dma_wait3A_448] : memref<8x64x128xf32, #tpu.memory_space<vmem>> -> memref<1x64x128xf32, #tpu.memory_space<vmem>>
        %dma_wait3A_450 = tpu.memref_squeeze %dma_wait3A_449 : memref<1x64x128xf32, #tpu.memory_space<vmem>> -> memref<64x128xf32, #tpu.memory_space<vmem>>
        tpu.wait_dma2 semaphore(%arg16 : memref<!tpu.dma_semaphore, #tpu.memory_space<semaphore_mem>>) src(%dma_wait3A_450 : memref<64x128xf32, #tpu.memory_space<vmem>>) dst(%dma_wait3A_446 : memref<64x128xf32, #tpu.memory_space<hbm>>)
      } else {
      }
      %add3A_182 = arith.constant 8 : i32
      %add3A_183 = arith.addi %add3A_176, %add3A_182 : i32
      %sub3A_184 = arith.constant 1 : i32
      %sub3A_185 = arith.subi %add3A_183, %sub3A_184 : i32
      %lt3A_186 = arith.constant 400 : i32
      %lt3A_187 = arith.cmpi slt, %sub3A_185, %lt3A_186 : i32
      %convert_element_type3A_188 = arith.extui %lt3A_187 : i1 to i32
      %cond3A_189 = arith.constant 0 : i32
      %cond3A_190 = arith.cmpi ne, %convert_element_type3A_188, %cond3A_189 : i32
      scf.if %cond3A_190 {
        %add3A_433 = arith.constant 8 : i32
        %add3A_434 = arith.addi %add3A_176, %add3A_433 : i32
        %sub3A_435 = arith.constant 1 : i32
        %sub3A_436 = arith.subi %add3A_434, %sub3A_435 : i32
        %mul3A_437 = arith.constant 64 : i32
        %mul3A_438 = arith.muli %sub3A_436, %mul3A_437 : i32
        %dma_start3A_439 = arith.constant 1 : i32
        %dma_start3A_440 = arith.constant 0 : i32
        %dma_start3A_441 = arith.constant 0 : i32
        %dma_start3A_442 = tpu.memref_slice %arg6[%dma_start3A_439, %dma_start3A_440, %dma_start3A_441] : memref<8x64x128xf32, #tpu.memory_space<vmem>> -> memref<1x64x128xf32, #tpu.memory_space<vmem>>
        %dma_start3A_443 = tpu.memref_squeeze %dma_start3A_442 : memref<1x64x128xf32, #tpu.memory_space<vmem>> -> memref<64x128xf32, #tpu.memory_space<vmem>>
        %dma_start3A_444 = tpu.memref_slice %arg5[%mul3A_438] : memref<25600xi32, #tpu.memory_space<vmem>> -> memref<64xi32, #tpu.memory_space<vmem>>
        %dma_start3A_445 = arith.constant 0 : i32
        %dma_start3A_446 = arith.constant 0 : i32
        %dma_start3A_447 = tpu.memref_slice %arg2[%dma_start3A_445, %dma_start3A_446] : memref<100000x128xf32, #tpu.memory_space<hbm>> -> memref<100000x128xf32, #tpu.memory_space<hbm>>
        tpu.enqueue_indirect_dma source(%dma_start3A_447 : memref<100000x128xf32, #tpu.memory_space<hbm>>) target(%dma_start3A_443 : memref<64x128xf32, #tpu.memory_space<vmem>>) offsets(%dma_start3A_444 : memref<64xi32, #tpu.memory_space<vmem>>) semaphore(%arg8 : memref<!tpu.dma_semaphore, #tpu.memory_space<semaphore_mem>>)
      } else {
      }
      %mul3A_191 = arith.constant 64 : i32
      %mul3A_192 = arith.muli %add3A_176, %mul3A_191 : i32
      %dma_wait3A_193 = arith.constant 2 : i32
      %dma_wait3A_194 = arith.constant 0 : i32
      %dma_wait3A_195 = arith.constant 0 : i32
      %dma_wait3A_196 = tpu.memref_slice %arg6[%dma_wait3A_193, %dma_wait3A_194, %dma_wait3A_195] : memref<8x64x128xf32, #tpu.memory_space<vmem>> -> memref<1x64x128xf32, #tpu.memory_space<vmem>>
      %dma_wait3A_197 = tpu.memref_squeeze %dma_wait3A_196 : memref<1x64x128xf32, #tpu.memory_space<vmem>> -> memref<64x128xf32, #tpu.memory_space<vmem>>
      %dma_wait3A_198 = tpu.memref_slice %arg5[%mul3A_192] : memref<25600xi32, #tpu.memory_space<vmem>> -> memref<64xi32, #tpu.memory_space<vmem>>
      %dma_wait3A_199 = arith.constant 0 : i32
      %dma_wait3A_200 = arith.constant 0 : i32
      %dma_wait3A_201 = tpu.memref_slice %arg2[%dma_wait3A_199, %dma_wait3A_200] : memref<100000x128xf32, #tpu.memory_space<hbm>> -> memref<100000x128xf32, #tpu.memory_space<hbm>>
      tpu.wait_indirect_dma semaphore(%arg9 : memref<!tpu.dma_semaphore, #tpu.memory_space<semaphore_mem>>) src(%dma_wait3A_201 : memref<100000x128xf32, #tpu.memory_space<hbm>>) dst(%dma_wait3A_197 : memref<64x128xf32, #tpu.memory_space<vmem>>)
      %mul3A_202 = arith.constant 64 : i32
      %mul3A_203 = arith.muli %add3A_176, %mul3A_202 : i32
      %add3A_204 = arith.addi %mul3A_2, %mul3A_203 : i32
      %dma_start3A_205 = arith.constant 2 : i32
      %dma_start3A_206 = arith.constant 0 : i32
      %dma_start3A_207 = arith.constant 0 : i32
      %dma_start3A_208 = tpu.memref_slice %arg6[%dma_start3A_205, %dma_start3A_206, %dma_start3A_207] : memref<8x64x128xf32, #tpu.memory_space<vmem>> -> memref<1x64x128xf32, #tpu.memory_space<vmem>>
      %dma_start3A_209 = tpu.memref_squeeze %dma_start3A_208 : memref<1x64x128xf32, #tpu.memory_space<vmem>> -> memref<64x128xf32, #tpu.memory_space<vmem>>
      %dma_start3A_210 = arith.constant 0 : i32
      %dma_start3A_211 = tpu.memref_slice %arg4[%add3A_204, %dma_start3A_210] : memref<819200x128xf32, #tpu.memory_space<hbm>> -> memref<64x128xf32, #tpu.memory_space<hbm>>
      %dma_start3A_212 = arith.constant 0 : i32
      %dma_start3A_213 = tpu.memref_slice %arg4[%add3A_204, %dma_start3A_212] : memref<819200x128xf32, #tpu.memory_space<hbm>> -> memref<64x128xf32, #tpu.memory_space<hbm>>
      %dma_start3A_214 = arith.constant 0 : i32
      %dma_start3A_215 = arith.constant 0 : i32
      %dma_start3A_216 = tpu.memref_slice %arg6[%dma_start3A_205, %dma_start3A_214, %dma_start3A_215] : memref<8x64x128xf32, #tpu.memory_space<vmem>> -> memref<1x64x128xf32, #tpu.memory_space<vmem>>
      %dma_start3A_217 = tpu.memref_squeeze %dma_start3A_216 : memref<1x64x128xf32, #tpu.memory_space<vmem>> -> memref<64x128xf32, #tpu.memory_space<vmem>>
      tpu.enqueue_dma source(%dma_start3A_217 : memref<64x128xf32, #tpu.memory_space<vmem>>) target(%dma_start3A_213 : memref<64x128xf32, #tpu.memory_space<hbm>>) target_semaphore(%arg17 : memref<!tpu.dma_semaphore, #tpu.memory_space<semaphore_mem>>)
      %add3A_218 = arith.constant 3 : i32
      %add3A_219 = arith.addi %mul3A_93, %add3A_218 : i32
      %ge3A_220 = arith.constant 1 : i32
      %ge3A_221 = arith.cmpi sge, %add3A_219, %ge3A_220 : i32
      %convert_element_type3A_222 = arith.extui %ge3A_221 : i1 to i32
      %cond3A_223 = arith.constant 0 : i32
      %cond3A_224 = arith.cmpi ne, %convert_element_type3A_222, %cond3A_223 : i32
      scf.if %cond3A_224 {
        %sub3A_433 = arith.constant 1 : i32
        %sub3A_434 = arith.subi %add3A_219, %sub3A_433 : i32
        %mul3A_435 = arith.constant 64 : i32
        %mul3A_436 = arith.muli %sub3A_434, %mul3A_435 : i32
        %add3A_437 = arith.addi %mul3A_2, %mul3A_436 : i32
        %dma_wait3A_438 = arith.constant 2 : i32
        %dma_wait3A_439 = arith.constant 0 : i32
        %dma_wait3A_440 = arith.constant 0 : i32
        %dma_wait3A_441 = tpu.memref_slice %arg6[%dma_wait3A_438, %dma_wait3A_439, %dma_wait3A_440] : memref<8x64x128xf32, #tpu.memory_space<vmem>> -> memref<1x64x128xf32, #tpu.memory_space<vmem>>
        %dma_wait3A_442 = tpu.memref_squeeze %dma_wait3A_441 : memref<1x64x128xf32, #tpu.memory_space<vmem>> -> memref<64x128xf32, #tpu.memory_space<vmem>>
        %dma_wait3A_443 = arith.constant 0 : i32
        %dma_wait3A_444 = tpu.memref_slice %arg4[%add3A_437, %dma_wait3A_443] : memref<819200x128xf32, #tpu.memory_space<hbm>> -> memref<64x128xf32, #tpu.memory_space<hbm>>
        %dma_wait3A_445 = arith.constant 0 : i32
        %dma_wait3A_446 = tpu.memref_slice %arg4[%add3A_437, %dma_wait3A_445] : memref<819200x128xf32, #tpu.memory_space<hbm>> -> memref<64x128xf32, #tpu.memory_space<hbm>>
        %dma_wait3A_447 = arith.constant 0 : i32
        %dma_wait3A_448 = arith.constant 0 : i32
        %dma_wait3A_449 = tpu.memref_slice %arg6[%dma_wait3A_438, %dma_wait3A_447, %dma_wait3A_448] : memref<8x64x128xf32, #tpu.memory_space<vmem>> -> memref<1x64x128xf32, #tpu.memory_space<vmem>>
        %dma_wait3A_450 = tpu.memref_squeeze %dma_wait3A_449 : memref<1x64x128xf32, #tpu.memory_space<vmem>> -> memref<64x128xf32, #tpu.memory_space<vmem>>
        tpu.wait_dma2 semaphore(%arg17 : memref<!tpu.dma_semaphore, #tpu.memory_space<semaphore_mem>>) src(%dma_wait3A_450 : memref<64x128xf32, #tpu.memory_space<vmem>>) dst(%dma_wait3A_446 : memref<64x128xf32, #tpu.memory_space<hbm>>)
      } else {
      }
      %add3A_225 = arith.constant 8 : i32
      %add3A_226 = arith.addi %add3A_219, %add3A_225 : i32
      %sub3A_227 = arith.constant 1 : i32
      %sub3A_228 = arith.subi %add3A_226, %sub3A_227 : i32
      %lt3A_229 = arith.constant 400 : i32
      %lt3A_230 = arith.cmpi slt, %sub3A_228, %lt3A_229 : i32
      %convert_element_type3A_231 = arith.extui %lt3A_230 : i1 to i32
      %cond3A_232 = arith.constant 0 : i32
      %cond3A_233 = arith.cmpi ne, %convert_element_type3A_231, %cond3A_232 : i32
      scf.if %cond3A_233 {
        %add3A_433 = arith.constant 8 : i32
        %add3A_434 = arith.addi %add3A_219, %add3A_433 : i32
        %sub3A_435 = arith.constant 1 : i32
        %sub3A_436 = arith.subi %add3A_434, %sub3A_435 : i32
        %mul3A_437 = arith.constant 64 : i32
        %mul3A_438 = arith.muli %sub3A_436, %mul3A_437 : i32
        %dma_start3A_439 = arith.constant 2 : i32
        %dma_start3A_440 = arith.constant 0 : i32
        %dma_start3A_441 = arith.constant 0 : i32
        %dma_start3A_442 = tpu.memref_slice %arg6[%dma_start3A_439, %dma_start3A_440, %dma_start3A_441] : memref<8x64x128xf32, #tpu.memory_space<vmem>> -> memref<1x64x128xf32, #tpu.memory_space<vmem>>
        %dma_start3A_443 = tpu.memref_squeeze %dma_start3A_442 : memref<1x64x128xf32, #tpu.memory_space<vmem>> -> memref<64x128xf32, #tpu.memory_space<vmem>>
        %dma_start3A_444 = tpu.memref_slice %arg5[%mul3A_438] : memref<25600xi32, #tpu.memory_space<vmem>> -> memref<64xi32, #tpu.memory_space<vmem>>
        %dma_start3A_445 = arith.constant 0 : i32
        %dma_start3A_446 = arith.constant 0 : i32
        %dma_start3A_447 = tpu.memref_slice %arg2[%dma_start3A_445, %dma_start3A_446] : memref<100000x128xf32, #tpu.memory_space<hbm>> -> memref<100000x128xf32, #tpu.memory_space<hbm>>
        tpu.enqueue_indirect_dma source(%dma_start3A_447 : memref<100000x128xf32, #tpu.memory_space<hbm>>) target(%dma_start3A_443 : memref<64x128xf32, #tpu.memory_space<vmem>>) offsets(%dma_start3A_444 : memref<64xi32, #tpu.memory_space<vmem>>) semaphore(%arg9 : memref<!tpu.dma_semaphore, #tpu.memory_space<semaphore_mem>>)
      } else {
      }
      %mul3A_234 = arith.constant 64 : i32
      %mul3A_235 = arith.muli %add3A_219, %mul3A_234 : i32
      %dma_wait3A_236 = arith.constant 3 : i32
      %dma_wait3A_237 = arith.constant 0 : i32
      %dma_wait3A_238 = arith.constant 0 : i32
      %dma_wait3A_239 = tpu.memref_slice %arg6[%dma_wait3A_236, %dma_wait3A_237, %dma_wait3A_238] : memref<8x64x128xf32, #tpu.memory_space<vmem>> -> memref<1x64x128xf32, #tpu.memory_space<vmem>>
      %dma_wait3A_240 = tpu.memref_squeeze %dma_wait3A_239 : memref<1x64x128xf32, #tpu.memory_space<vmem>> -> memref<64x128xf32, #tpu.memory_space<vmem>>
      %dma_wait3A_241 = tpu.memref_slice %arg5[%mul3A_235] : memref<25600xi32, #tpu.memory_space<vmem>> -> memref<64xi32, #tpu.memory_space<vmem>>
      %dma_wait3A_242 = arith.constant 0 : i32
      %dma_wait3A_243 = arith.constant 0 : i32
      %dma_wait3A_244 = tpu.memref_slice %arg2[%dma_wait3A_242, %dma_wait3A_243] : memref<100000x128xf32, #tpu.memory_space<hbm>> -> memref<100000x128xf32, #tpu.memory_space<hbm>>
      tpu.wait_indirect_dma semaphore(%arg10 : memref<!tpu.dma_semaphore, #tpu.memory_space<semaphore_mem>>) src(%dma_wait3A_244 : memref<100000x128xf32, #tpu.memory_space<hbm>>) dst(%dma_wait3A_240 : memref<64x128xf32, #tpu.memory_space<vmem>>)
      %mul3A_245 = arith.constant 64 : i32
      %mul3A_246 = arith.muli %add3A_219, %mul3A_245 : i32
      %add3A_247 = arith.addi %mul3A_2, %mul3A_246 : i32
      %dma_start3A_248 = arith.constant 3 : i32
      %dma_start3A_249 = arith.constant 0 : i32
      %dma_start3A_250 = arith.constant 0 : i32
      %dma_start3A_251 = tpu.memref_slice %arg6[%dma_start3A_248, %dma_start3A_249, %dma_start3A_250] : memref<8x64x128xf32, #tpu.memory_space<vmem>> -> memref<1x64x128xf32, #tpu.memory_space<vmem>>
      %dma_start3A_252 = tpu.memref_squeeze %dma_start3A_251 : memref<1x64x128xf32, #tpu.memory_space<vmem>> -> memref<64x128xf32, #tpu.memory_space<vmem>>
      %dma_start3A_253 = arith.constant 0 : i32
      %dma_start3A_254 = tpu.memref_slice %arg4[%add3A_247, %dma_start3A_253] : memref<819200x128xf32, #tpu.memory_space<hbm>> -> memref<64x128xf32, #tpu.memory_space<hbm>>
      %dma_start3A_255 = arith.constant 0 : i32
      %dma_start3A_256 = tpu.memref_slice %arg4[%add3A_247, %dma_start3A_255] : memref<819200x128xf32, #tpu.memory_space<hbm>> -> memref<64x128xf32, #tpu.memory_space<hbm>>
      %dma_start3A_257 = arith.constant 0 : i32
      %dma_start3A_258 = arith.constant 0 : i32
      %dma_start3A_259 = tpu.memref_slice %arg6[%dma_start3A_248, %dma_start3A_257, %dma_start3A_258] : memref<8x64x128xf32, #tpu.memory_space<vmem>> -> memref<1x64x128xf32, #tpu.memory_space<vmem>>
      %dma_start3A_260 = tpu.memref_squeeze %dma_start3A_259 : memref<1x64x128xf32, #tpu.memory_space<vmem>> -> memref<64x128xf32, #tpu.memory_space<vmem>>
      tpu.enqueue_dma source(%dma_start3A_260 : memref<64x128xf32, #tpu.memory_space<vmem>>) target(%dma_start3A_256 : memref<64x128xf32, #tpu.memory_space<hbm>>) target_semaphore(%arg18 : memref<!tpu.dma_semaphore, #tpu.memory_space<semaphore_mem>>)
      %add3A_261 = arith.constant 4 : i32
      %add3A_262 = arith.addi %mul3A_93, %add3A_261 : i32
      %ge3A_263 = arith.constant 1 : i32
      %ge3A_264 = arith.cmpi sge, %add3A_262, %ge3A_263 : i32
      %convert_element_type3A_265 = arith.extui %ge3A_264 : i1 to i32
      %cond3A_266 = arith.constant 0 : i32
      %cond3A_267 = arith.cmpi ne, %convert_element_type3A_265, %cond3A_266 : i32
      scf.if %cond3A_267 {
        %sub3A_433 = arith.constant 1 : i32
        %sub3A_434 = arith.subi %add3A_262, %sub3A_433 : i32
        %mul3A_435 = arith.constant 64 : i32
        %mul3A_436 = arith.muli %sub3A_434, %mul3A_435 : i32
        %add3A_437 = arith.addi %mul3A_2, %mul3A_436 : i32
        %dma_wait3A_438 = arith.constant 3 : i32
        %dma_wait3A_439 = arith.constant 0 : i32
        %dma_wait3A_440 = arith.constant 0 : i32
        %dma_wait3A_441 = tpu.memref_slice %arg6[%dma_wait3A_438, %dma_wait3A_439, %dma_wait3A_440] : memref<8x64x128xf32, #tpu.memory_space<vmem>> -> memref<1x64x128xf32, #tpu.memory_space<vmem>>
        %dma_wait3A_442 = tpu.memref_squeeze %dma_wait3A_441 : memref<1x64x128xf32, #tpu.memory_space<vmem>> -> memref<64x128xf32, #tpu.memory_space<vmem>>
        %dma_wait3A_443 = arith.constant 0 : i32
        %dma_wait3A_444 = tpu.memref_slice %arg4[%add3A_437, %dma_wait3A_443] : memref<819200x128xf32, #tpu.memory_space<hbm>> -> memref<64x128xf32, #tpu.memory_space<hbm>>
        %dma_wait3A_445 = arith.constant 0 : i32
        %dma_wait3A_446 = tpu.memref_slice %arg4[%add3A_437, %dma_wait3A_445] : memref<819200x128xf32, #tpu.memory_space<hbm>> -> memref<64x128xf32, #tpu.memory_space<hbm>>
        %dma_wait3A_447 = arith.constant 0 : i32
        %dma_wait3A_448 = arith.constant 0 : i32
        %dma_wait3A_449 = tpu.memref_slice %arg6[%dma_wait3A_438, %dma_wait3A_447, %dma_wait3A_448] : memref<8x64x128xf32, #tpu.memory_space<vmem>> -> memref<1x64x128xf32, #tpu.memory_space<vmem>>
        %dma_wait3A_450 = tpu.memref_squeeze %dma_wait3A_449 : memref<1x64x128xf32, #tpu.memory_space<vmem>> -> memref<64x128xf32, #tpu.memory_space<vmem>>
        tpu.wait_dma2 semaphore(%arg18 : memref<!tpu.dma_semaphore, #tpu.memory_space<semaphore_mem>>) src(%dma_wait3A_450 : memref<64x128xf32, #tpu.memory_space<vmem>>) dst(%dma_wait3A_446 : memref<64x128xf32, #tpu.memory_space<hbm>>)
      } else {
      }
      %add3A_268 = arith.constant 8 : i32
      %add3A_269 = arith.addi %add3A_262, %add3A_268 : i32
      %sub3A_270 = arith.constant 1 : i32
      %sub3A_271 = arith.subi %add3A_269, %sub3A_270 : i32
      %lt3A_272 = arith.constant 400 : i32
      %lt3A_273 = arith.cmpi slt, %sub3A_271, %lt3A_272 : i32
      %convert_element_type3A_274 = arith.extui %lt3A_273 : i1 to i32
      %cond3A_275 = arith.constant 0 : i32
      %cond3A_276 = arith.cmpi ne, %convert_element_type3A_274, %cond3A_275 : i32
      scf.if %cond3A_276 {
        %add3A_433 = arith.constant 8 : i32
        %add3A_434 = arith.addi %add3A_262, %add3A_433 : i32
        %sub3A_435 = arith.constant 1 : i32
        %sub3A_436 = arith.subi %add3A_434, %sub3A_435 : i32
        %mul3A_437 = arith.constant 64 : i32
        %mul3A_438 = arith.muli %sub3A_436, %mul3A_437 : i32
        %dma_start3A_439 = arith.constant 3 : i32
        %dma_start3A_440 = arith.constant 0 : i32
        %dma_start3A_441 = arith.constant 0 : i32
        %dma_start3A_442 = tpu.memref_slice %arg6[%dma_start3A_439, %dma_start3A_440, %dma_start3A_441] : memref<8x64x128xf32, #tpu.memory_space<vmem>> -> memref<1x64x128xf32, #tpu.memory_space<vmem>>
        %dma_start3A_443 = tpu.memref_squeeze %dma_start3A_442 : memref<1x64x128xf32, #tpu.memory_space<vmem>> -> memref<64x128xf32, #tpu.memory_space<vmem>>
        %dma_start3A_444 = tpu.memref_slice %arg5[%mul3A_438] : memref<25600xi32, #tpu.memory_space<vmem>> -> memref<64xi32, #tpu.memory_space<vmem>>
        %dma_start3A_445 = arith.constant 0 : i32
        %dma_start3A_446 = arith.constant 0 : i32
        %dma_start3A_447 = tpu.memref_slice %arg2[%dma_start3A_445, %dma_start3A_446] : memref<100000x128xf32, #tpu.memory_space<hbm>> -> memref<100000x128xf32, #tpu.memory_space<hbm>>
        tpu.enqueue_indirect_dma source(%dma_start3A_447 : memref<100000x128xf32, #tpu.memory_space<hbm>>) target(%dma_start3A_443 : memref<64x128xf32, #tpu.memory_space<vmem>>) offsets(%dma_start3A_444 : memref<64xi32, #tpu.memory_space<vmem>>) semaphore(%arg10 : memref<!tpu.dma_semaphore, #tpu.memory_space<semaphore_mem>>)
      } else {
      }
      %mul3A_277 = arith.constant 64 : i32
      %mul3A_278 = arith.muli %add3A_262, %mul3A_277 : i32
      %dma_wait3A_279 = arith.constant 4 : i32
      %dma_wait3A_280 = arith.constant 0 : i32
      %dma_wait3A_281 = arith.constant 0 : i32
      %dma_wait3A_282 = tpu.memref_slice %arg6[%dma_wait3A_279, %dma_wait3A_280, %dma_wait3A_281] : memref<8x64x128xf32, #tpu.memory_space<vmem>> -> memref<1x64x128xf32, #tpu.memory_space<vmem>>
      %dma_wait3A_283 = tpu.memref_squeeze %dma_wait3A_282 : memref<1x64x128xf32, #tpu.memory_space<vmem>> -> memref<64x128xf32, #tpu.memory_space<vmem>>
      %dma_wait3A_284 = tpu.memref_slice %arg5[%mul3A_278] : memref<25600xi32, #tpu.memory_space<vmem>> -> memref<64xi32, #tpu.memory_space<vmem>>
      %dma_wait3A_285 = arith.constant 0 : i32
      %dma_wait3A_286 = arith.constant 0 : i32
      %dma_wait3A_287 = tpu.memref_slice %arg2[%dma_wait3A_285, %dma_wait3A_286] : memref<100000x128xf32, #tpu.memory_space<hbm>> -> memref<100000x128xf32, #tpu.memory_space<hbm>>
      tpu.wait_indirect_dma semaphore(%arg11 : memref<!tpu.dma_semaphore, #tpu.memory_space<semaphore_mem>>) src(%dma_wait3A_287 : memref<100000x128xf32, #tpu.memory_space<hbm>>) dst(%dma_wait3A_283 : memref<64x128xf32, #tpu.memory_space<vmem>>)
      %mul3A_288 = arith.constant 64 : i32
      %mul3A_289 = arith.muli %add3A_262, %mul3A_288 : i32
      %add3A_290 = arith.addi %mul3A_2, %mul3A_289 : i32
      %dma_start3A_291 = arith.constant 4 : i32
      %dma_start3A_292 = arith.constant 0 : i32
      %dma_start3A_293 = arith.constant 0 : i32
      %dma_start3A_294 = tpu.memref_slice %arg6[%dma_start3A_291, %dma_start3A_292, %dma_start3A_293] : memref<8x64x128xf32, #tpu.memory_space<vmem>> -> memref<1x64x128xf32, #tpu.memory_space<vmem>>
      %dma_start3A_295 = tpu.memref_squeeze %dma_start3A_294 : memref<1x64x128xf32, #tpu.memory_space<vmem>> -> memref<64x128xf32, #tpu.memory_space<vmem>>
      %dma_start3A_296 = arith.constant 0 : i32
      %dma_start3A_297 = tpu.memref_slice %arg4[%add3A_290, %dma_start3A_296] : memref<819200x128xf32, #tpu.memory_space<hbm>> -> memref<64x128xf32, #tpu.memory_space<hbm>>
      %dma_start3A_298 = arith.constant 0 : i32
      %dma_start3A_299 = tpu.memref_slice %arg4[%add3A_290, %dma_start3A_298] : memref<819200x128xf32, #tpu.memory_space<hbm>> -> memref<64x128xf32, #tpu.memory_space<hbm>>
      %dma_start3A_300 = arith.constant 0 : i32
      %dma_start3A_301 = arith.constant 0 : i32
      %dma_start3A_302 = tpu.memref_slice %arg6[%dma_start3A_291, %dma_start3A_300, %dma_start3A_301] : memref<8x64x128xf32, #tpu.memory_space<vmem>> -> memref<1x64x128xf32, #tpu.memory_space<vmem>>
      %dma_start3A_303 = tpu.memref_squeeze %dma_start3A_302 : memref<1x64x128xf32, #tpu.memory_space<vmem>> -> memref<64x128xf32, #tpu.memory_space<vmem>>
      tpu.enqueue_dma source(%dma_start3A_303 : memref<64x128xf32, #tpu.memory_space<vmem>>) target(%dma_start3A_299 : memref<64x128xf32, #tpu.memory_space<hbm>>) target_semaphore(%arg19 : memref<!tpu.dma_semaphore, #tpu.memory_space<semaphore_mem>>)
      %add3A_304 = arith.constant 5 : i32
      %add3A_305 = arith.addi %mul3A_93, %add3A_304 : i32
      %ge3A_306 = arith.constant 1 : i32
      %ge3A_307 = arith.cmpi sge, %add3A_305, %ge3A_306 : i32
      %convert_element_type3A_308 = arith.extui %ge3A_307 : i1 to i32
      %cond3A_309 = arith.constant 0 : i32
      %cond3A_310 = arith.cmpi ne, %convert_element_type3A_308, %cond3A_309 : i32
      scf.if %cond3A_310 {
        %sub3A_433 = arith.constant 1 : i32
        %sub3A_434 = arith.subi %add3A_305, %sub3A_433 : i32
        %mul3A_435 = arith.constant 64 : i32
        %mul3A_436 = arith.muli %sub3A_434, %mul3A_435 : i32
        %add3A_437 = arith.addi %mul3A_2, %mul3A_436 : i32
        %dma_wait3A_438 = arith.constant 4 : i32
        %dma_wait3A_439 = arith.constant 0 : i32
        %dma_wait3A_440 = arith.constant 0 : i32
        %dma_wait3A_441 = tpu.memref_slice %arg6[%dma_wait3A_438, %dma_wait3A_439, %dma_wait3A_440] : memref<8x64x128xf32, #tpu.memory_space<vmem>> -> memref<1x64x128xf32, #tpu.memory_space<vmem>>
        %dma_wait3A_442 = tpu.memref_squeeze %dma_wait3A_441 : memref<1x64x128xf32, #tpu.memory_space<vmem>> -> memref<64x128xf32, #tpu.memory_space<vmem>>
        %dma_wait3A_443 = arith.constant 0 : i32
        %dma_wait3A_444 = tpu.memref_slice %arg4[%add3A_437, %dma_wait3A_443] : memref<819200x128xf32, #tpu.memory_space<hbm>> -> memref<64x128xf32, #tpu.memory_space<hbm>>
        %dma_wait3A_445 = arith.constant 0 : i32
        %dma_wait3A_446 = tpu.memref_slice %arg4[%add3A_437, %dma_wait3A_445] : memref<819200x128xf32, #tpu.memory_space<hbm>> -> memref<64x128xf32, #tpu.memory_space<hbm>>
        %dma_wait3A_447 = arith.constant 0 : i32
        %dma_wait3A_448 = arith.constant 0 : i32
        %dma_wait3A_449 = tpu.memref_slice %arg6[%dma_wait3A_438, %dma_wait3A_447, %dma_wait3A_448] : memref<8x64x128xf32, #tpu.memory_space<vmem>> -> memref<1x64x128xf32, #tpu.memory_space<vmem>>
        %dma_wait3A_450 = tpu.memref_squeeze %dma_wait3A_449 : memref<1x64x128xf32, #tpu.memory_space<vmem>> -> memref<64x128xf32, #tpu.memory_space<vmem>>
        tpu.wait_dma2 semaphore(%arg19 : memref<!tpu.dma_semaphore, #tpu.memory_space<semaphore_mem>>) src(%dma_wait3A_450 : memref<64x128xf32, #tpu.memory_space<vmem>>) dst(%dma_wait3A_446 : memref<64x128xf32, #tpu.memory_space<hbm>>)
      } else {
      }
      %add3A_311 = arith.constant 8 : i32
      %add3A_312 = arith.addi %add3A_305, %add3A_311 : i32
      %sub3A_313 = arith.constant 1 : i32
      %sub3A_314 = arith.subi %add3A_312, %sub3A_313 : i32
      %lt3A_315 = arith.constant 400 : i32
      %lt3A_316 = arith.cmpi slt, %sub3A_314, %lt3A_315 : i32
      %convert_element_type3A_317 = arith.extui %lt3A_316 : i1 to i32
      %cond3A_318 = arith.constant 0 : i32
      %cond3A_319 = arith.cmpi ne, %convert_element_type3A_317, %cond3A_318 : i32
      scf.if %cond3A_319 {
        %add3A_433 = arith.constant 8 : i32
        %add3A_434 = arith.addi %add3A_305, %add3A_433 : i32
        %sub3A_435 = arith.constant 1 : i32
        %sub3A_436 = arith.subi %add3A_434, %sub3A_435 : i32
        %mul3A_437 = arith.constant 64 : i32
        %mul3A_438 = arith.muli %sub3A_436, %mul3A_437 : i32
        %dma_start3A_439 = arith.constant 4 : i32
        %dma_start3A_440 = arith.constant 0 : i32
        %dma_start3A_441 = arith.constant 0 : i32
        %dma_start3A_442 = tpu.memref_slice %arg6[%dma_start3A_439, %dma_start3A_440, %dma_start3A_441] : memref<8x64x128xf32, #tpu.memory_space<vmem>> -> memref<1x64x128xf32, #tpu.memory_space<vmem>>
        %dma_start3A_443 = tpu.memref_squeeze %dma_start3A_442 : memref<1x64x128xf32, #tpu.memory_space<vmem>> -> memref<64x128xf32, #tpu.memory_space<vmem>>
        %dma_start3A_444 = tpu.memref_slice %arg5[%mul3A_438] : memref<25600xi32, #tpu.memory_space<vmem>> -> memref<64xi32, #tpu.memory_space<vmem>>
        %dma_start3A_445 = arith.constant 0 : i32
        %dma_start3A_446 = arith.constant 0 : i32
        %dma_start3A_447 = tpu.memref_slice %arg2[%dma_start3A_445, %dma_start3A_446] : memref<100000x128xf32, #tpu.memory_space<hbm>> -> memref<100000x128xf32, #tpu.memory_space<hbm>>
        tpu.enqueue_indirect_dma source(%dma_start3A_447 : memref<100000x128xf32, #tpu.memory_space<hbm>>) target(%dma_start3A_443 : memref<64x128xf32, #tpu.memory_space<vmem>>) offsets(%dma_start3A_444 : memref<64xi32, #tpu.memory_space<vmem>>) semaphore(%arg11 : memref<!tpu.dma_semaphore, #tpu.memory_space<semaphore_mem>>)
      } else {
      }
      %mul3A_320 = arith.constant 64 : i32
      %mul3A_321 = arith.muli %add3A_305, %mul3A_320 : i32
      %dma_wait3A_322 = arith.constant 5 : i32
      %dma_wait3A_323 = arith.constant 0 : i32
      %dma_wait3A_324 = arith.constant 0 : i32
      %dma_wait3A_325 = tpu.memref_slice %arg6[%dma_wait3A_322, %dma_wait3A_323, %dma_wait3A_324] : memref<8x64x128xf32, #tpu.memory_space<vmem>> -> memref<1x64x128xf32, #tpu.memory_space<vmem>>
      %dma_wait3A_326 = tpu.memref_squeeze %dma_wait3A_325 : memref<1x64x128xf32, #tpu.memory_space<vmem>> -> memref<64x128xf32, #tpu.memory_space<vmem>>
      %dma_wait3A_327 = tpu.memref_slice %arg5[%mul3A_321] : memref<25600xi32, #tpu.memory_space<vmem>> -> memref<64xi32, #tpu.memory_space<vmem>>
      %dma_wait3A_328 = arith.constant 0 : i32
      %dma_wait3A_329 = arith.constant 0 : i32
      %dma_wait3A_330 = tpu.memref_slice %arg2[%dma_wait3A_328, %dma_wait3A_329] : memref<100000x128xf32, #tpu.memory_space<hbm>> -> memref<100000x128xf32, #tpu.memory_space<hbm>>
      tpu.wait_indirect_dma semaphore(%arg12 : memref<!tpu.dma_semaphore, #tpu.memory_space<semaphore_mem>>) src(%dma_wait3A_330 : memref<100000x128xf32, #tpu.memory_space<hbm>>) dst(%dma_wait3A_326 : memref<64x128xf32, #tpu.memory_space<vmem>>)
      %mul3A_331 = arith.constant 64 : i32
      %mul3A_332 = arith.muli %add3A_305, %mul3A_331 : i32
      %add3A_333 = arith.addi %mul3A_2, %mul3A_332 : i32
      %dma_start3A_334 = arith.constant 5 : i32
      %dma_start3A_335 = arith.constant 0 : i32
      %dma_start3A_336 = arith.constant 0 : i32
      %dma_start3A_337 = tpu.memref_slice %arg6[%dma_start3A_334, %dma_start3A_335, %dma_start3A_336] : memref<8x64x128xf32, #tpu.memory_space<vmem>> -> memref<1x64x128xf32, #tpu.memory_space<vmem>>
      %dma_start3A_338 = tpu.memref_squeeze %dma_start3A_337 : memref<1x64x128xf32, #tpu.memory_space<vmem>> -> memref<64x128xf32, #tpu.memory_space<vmem>>
      %dma_start3A_339 = arith.constant 0 : i32
      %dma_start3A_340 = tpu.memref_slice %arg4[%add3A_333, %dma_start3A_339] : memref<819200x128xf32, #tpu.memory_space<hbm>> -> memref<64x128xf32, #tpu.memory_space<hbm>>
      %dma_start3A_341 = arith.constant 0 : i32
      %dma_start3A_342 = tpu.memref_slice %arg4[%add3A_333, %dma_start3A_341] : memref<819200x128xf32, #tpu.memory_space<hbm>> -> memref<64x128xf32, #tpu.memory_space<hbm>>
      %dma_start3A_343 = arith.constant 0 : i32
      %dma_start3A_344 = arith.constant 0 : i32
      %dma_start3A_345 = tpu.memref_slice %arg6[%dma_start3A_334, %dma_start3A_343, %dma_start3A_344] : memref<8x64x128xf32, #tpu.memory_space<vmem>> -> memref<1x64x128xf32, #tpu.memory_space<vmem>>
      %dma_start3A_346 = tpu.memref_squeeze %dma_start3A_345 : memref<1x64x128xf32, #tpu.memory_space<vmem>> -> memref<64x128xf32, #tpu.memory_space<vmem>>
      tpu.enqueue_dma source(%dma_start3A_346 : memref<64x128xf32, #tpu.memory_space<vmem>>) target(%dma_start3A_342 : memref<64x128xf32, #tpu.memory_space<hbm>>) target_semaphore(%arg20 : memref<!tpu.dma_semaphore, #tpu.memory_space<semaphore_mem>>)
      %add3A_347 = arith.constant 6 : i32
      %add3A_348 = arith.addi %mul3A_93, %add3A_347 : i32
      %ge3A_349 = arith.constant 1 : i32
      %ge3A_350 = arith.cmpi sge, %add3A_348, %ge3A_349 : i32
      %convert_element_type3A_351 = arith.extui %ge3A_350 : i1 to i32
      %cond3A_352 = arith.constant 0 : i32
      %cond3A_353 = arith.cmpi ne, %convert_element_type3A_351, %cond3A_352 : i32
      scf.if %cond3A_353 {
        %sub3A_433 = arith.constant 1 : i32
        %sub3A_434 = arith.subi %add3A_348, %sub3A_433 : i32
        %mul3A_435 = arith.constant 64 : i32
        %mul3A_436 = arith.muli %sub3A_434, %mul3A_435 : i32
        %add3A_437 = arith.addi %mul3A_2, %mul3A_436 : i32
        %dma_wait3A_438 = arith.constant 5 : i32
        %dma_wait3A_439 = arith.constant 0 : i32
        %dma_wait3A_440 = arith.constant 0 : i32
        %dma_wait3A_441 = tpu.memref_slice %arg6[%dma_wait3A_438, %dma_wait3A_439, %dma_wait3A_440] : memref<8x64x128xf32, #tpu.memory_space<vmem>> -> memref<1x64x128xf32, #tpu.memory_space<vmem>>
        %dma_wait3A_442 = tpu.memref_squeeze %dma_wait3A_441 : memref<1x64x128xf32, #tpu.memory_space<vmem>> -> memref<64x128xf32, #tpu.memory_space<vmem>>
        %dma_wait3A_443 = arith.constant 0 : i32
        %dma_wait3A_444 = tpu.memref_slice %arg4[%add3A_437, %dma_wait3A_443] : memref<819200x128xf32, #tpu.memory_space<hbm>> -> memref<64x128xf32, #tpu.memory_space<hbm>>
        %dma_wait3A_445 = arith.constant 0 : i32
        %dma_wait3A_446 = tpu.memref_slice %arg4[%add3A_437, %dma_wait3A_445] : memref<819200x128xf32, #tpu.memory_space<hbm>> -> memref<64x128xf32, #tpu.memory_space<hbm>>
        %dma_wait3A_447 = arith.constant 0 : i32
        %dma_wait3A_448 = arith.constant 0 : i32
        %dma_wait3A_449 = tpu.memref_slice %arg6[%dma_wait3A_438, %dma_wait3A_447, %dma_wait3A_448] : memref<8x64x128xf32, #tpu.memory_space<vmem>> -> memref<1x64x128xf32, #tpu.memory_space<vmem>>
        %dma_wait3A_450 = tpu.memref_squeeze %dma_wait3A_449 : memref<1x64x128xf32, #tpu.memory_space<vmem>> -> memref<64x128xf32, #tpu.memory_space<vmem>>
        tpu.wait_dma2 semaphore(%arg20 : memref<!tpu.dma_semaphore, #tpu.memory_space<semaphore_mem>>) src(%dma_wait3A_450 : memref<64x128xf32, #tpu.memory_space<vmem>>) dst(%dma_wait3A_446 : memref<64x128xf32, #tpu.memory_space<hbm>>)
      } else {
      }
      %add3A_354 = arith.constant 8 : i32
      %add3A_355 = arith.addi %add3A_348, %add3A_354 : i32
      %sub3A_356 = arith.constant 1 : i32
      %sub3A_357 = arith.subi %add3A_355, %sub3A_356 : i32
      %lt3A_358 = arith.constant 400 : i32
      %lt3A_359 = arith.cmpi slt, %sub3A_357, %lt3A_358 : i32
      %convert_element_type3A_360 = arith.extui %lt3A_359 : i1 to i32
      %cond3A_361 = arith.constant 0 : i32
      %cond3A_362 = arith.cmpi ne, %convert_element_type3A_360, %cond3A_361 : i32
      scf.if %cond3A_362 {
        %add3A_433 = arith.constant 8 : i32
        %add3A_434 = arith.addi %add3A_348, %add3A_433 : i32
        %sub3A_435 = arith.constant 1 : i32
        %sub3A_436 = arith.subi %add3A_434, %sub3A_435 : i32
        %mul3A_437 = arith.constant 64 : i32
        %mul3A_438 = arith.muli %sub3A_436, %mul3A_437 : i32
        %dma_start3A_439 = arith.constant 5 : i32
        %dma_start3A_440 = arith.constant 0 : i32
        %dma_start3A_441 = arith.constant 0 : i32
        %dma_start3A_442 = tpu.memref_slice %arg6[%dma_start3A_439, %dma_start3A_440, %dma_start3A_441] : memref<8x64x128xf32, #tpu.memory_space<vmem>> -> memref<1x64x128xf32, #tpu.memory_space<vmem>>
        %dma_start3A_443 = tpu.memref_squeeze %dma_start3A_442 : memref<1x64x128xf32, #tpu.memory_space<vmem>> -> memref<64x128xf32, #tpu.memory_space<vmem>>
        %dma_start3A_444 = tpu.memref_slice %arg5[%mul3A_438] : memref<25600xi32, #tpu.memory_space<vmem>> -> memref<64xi32, #tpu.memory_space<vmem>>
        %dma_start3A_445 = arith.constant 0 : i32
        %dma_start3A_446 = arith.constant 0 : i32
        %dma_start3A_447 = tpu.memref_slice %arg2[%dma_start3A_445, %dma_start3A_446] : memref<100000x128xf32, #tpu.memory_space<hbm>> -> memref<100000x128xf32, #tpu.memory_space<hbm>>
        tpu.enqueue_indirect_dma source(%dma_start3A_447 : memref<100000x128xf32, #tpu.memory_space<hbm>>) target(%dma_start3A_443 : memref<64x128xf32, #tpu.memory_space<vmem>>) offsets(%dma_start3A_444 : memref<64xi32, #tpu.memory_space<vmem>>) semaphore(%arg12 : memref<!tpu.dma_semaphore, #tpu.memory_space<semaphore_mem>>)
      } else {
      }
      %mul3A_363 = arith.constant 64 : i32
      %mul3A_364 = arith.muli %add3A_348, %mul3A_363 : i32
      %dma_wait3A_365 = arith.constant 6 : i32
      %dma_wait3A_366 = arith.constant 0 : i32
      %dma_wait3A_367 = arith.constant 0 : i32
      %dma_wait3A_368 = tpu.memref_slice %arg6[%dma_wait3A_365, %dma_wait3A_366, %dma_wait3A_367] : memref<8x64x128xf32, #tpu.memory_space<vmem>> -> memref<1x64x128xf32, #tpu.memory_space<vmem>>
      %dma_wait3A_369 = tpu.memref_squeeze %dma_wait3A_368 : memref<1x64x128xf32, #tpu.memory_space<vmem>> -> memref<64x128xf32, #tpu.memory_space<vmem>>
      %dma_wait3A_370 = tpu.memref_slice %arg5[%mul3A_364] : memref<25600xi32, #tpu.memory_space<vmem>> -> memref<64xi32, #tpu.memory_space<vmem>>
      %dma_wait3A_371 = arith.constant 0 : i32
      %dma_wait3A_372 = arith.constant 0 : i32
      %dma_wait3A_373 = tpu.memref_slice %arg2[%dma_wait3A_371, %dma_wait3A_372] : memref<100000x128xf32, #tpu.memory_space<hbm>> -> memref<100000x128xf32, #tpu.memory_space<hbm>>
      tpu.wait_indirect_dma semaphore(%arg13 : memref<!tpu.dma_semaphore, #tpu.memory_space<semaphore_mem>>) src(%dma_wait3A_373 : memref<100000x128xf32, #tpu.memory_space<hbm>>) dst(%dma_wait3A_369 : memref<64x128xf32, #tpu.memory_space<vmem>>)
      %mul3A_374 = arith.constant 64 : i32
      %mul3A_375 = arith.muli %add3A_348, %mul3A_374 : i32
      %add3A_376 = arith.addi %mul3A_2, %mul3A_375 : i32
      %dma_start3A_377 = arith.constant 6 : i32
      %dma_start3A_378 = arith.constant 0 : i32
      %dma_start3A_379 = arith.constant 0 : i32
      %dma_start3A_380 = tpu.memref_slice %arg6[%dma_start3A_377, %dma_start3A_378, %dma_start3A_379] : memref<8x64x128xf32, #tpu.memory_space<vmem>> -> memref<1x64x128xf32, #tpu.memory_space<vmem>>
      %dma_start3A_381 = tpu.memref_squeeze %dma_start3A_380 : memref<1x64x128xf32, #tpu.memory_space<vmem>> -> memref<64x128xf32, #tpu.memory_space<vmem>>
      %dma_start3A_382 = arith.constant 0 : i32
      %dma_start3A_383 = tpu.memref_slice %arg4[%add3A_376, %dma_start3A_382] : memref<819200x128xf32, #tpu.memory_space<hbm>> -> memref<64x128xf32, #tpu.memory_space<hbm>>
      %dma_start3A_384 = arith.constant 0 : i32
      %dma_start3A_385 = tpu.memref_slice %arg4[%add3A_376, %dma_start3A_384] : memref<819200x128xf32, #tpu.memory_space<hbm>> -> memref<64x128xf32, #tpu.memory_space<hbm>>
      %dma_start3A_386 = arith.constant 0 : i32
      %dma_start3A_387 = arith.constant 0 : i32
      %dma_start3A_388 = tpu.memref_slice %arg6[%dma_start3A_377, %dma_start3A_386, %dma_start3A_387] : memref<8x64x128xf32, #tpu.memory_space<vmem>> -> memref<1x64x128xf32, #tpu.memory_space<vmem>>
      %dma_start3A_389 = tpu.memref_squeeze %dma_start3A_388 : memref<1x64x128xf32, #tpu.memory_space<vmem>> -> memref<64x128xf32, #tpu.memory_space<vmem>>
      tpu.enqueue_dma source(%dma_start3A_389 : memref<64x128xf32, #tpu.memory_space<vmem>>) target(%dma_start3A_385 : memref<64x128xf32, #tpu.memory_space<hbm>>) target_semaphore(%arg21 : memref<!tpu.dma_semaphore, #tpu.memory_space<semaphore_mem>>)
      %add3A_390 = arith.constant 7 : i32
      %add3A_391 = arith.addi %mul3A_93, %add3A_390 : i32
      %ge3A_392 = arith.constant 1 : i32
      %ge3A_393 = arith.cmpi sge, %add3A_391, %ge3A_392 : i32
      %convert_element_type3A_394 = arith.extui %ge3A_393 : i1 to i32
      %cond3A_395 = arith.constant 0 : i32
      %cond3A_396 = arith.cmpi ne, %convert_element_type3A_394, %cond3A_395 : i32
      scf.if %cond3A_396 {
        %sub3A_433 = arith.constant 1 : i32
        %sub3A_434 = arith.subi %add3A_391, %sub3A_433 : i32
        %mul3A_435 = arith.constant 64 : i32
        %mul3A_436 = arith.muli %sub3A_434, %mul3A_435 : i32
        %add3A_437 = arith.addi %mul3A_2, %mul3A_436 : i32
        %dma_wait3A_438 = arith.constant 6 : i32
        %dma_wait3A_439 = arith.constant 0 : i32
        %dma_wait3A_440 = arith.constant 0 : i32
        %dma_wait3A_441 = tpu.memref_slice %arg6[%dma_wait3A_438, %dma_wait3A_439, %dma_wait3A_440] : memref<8x64x128xf32, #tpu.memory_space<vmem>> -> memref<1x64x128xf32, #tpu.memory_space<vmem>>
        %dma_wait3A_442 = tpu.memref_squeeze %dma_wait3A_441 : memref<1x64x128xf32, #tpu.memory_space<vmem>> -> memref<64x128xf32, #tpu.memory_space<vmem>>
        %dma_wait3A_443 = arith.constant 0 : i32
        %dma_wait3A_444 = tpu.memref_slice %arg4[%add3A_437, %dma_wait3A_443] : memref<819200x128xf32, #tpu.memory_space<hbm>> -> memref<64x128xf32, #tpu.memory_space<hbm>>
        %dma_wait3A_445 = arith.constant 0 : i32
        %dma_wait3A_446 = tpu.memref_slice %arg4[%add3A_437, %dma_wait3A_445] : memref<819200x128xf32, #tpu.memory_space<hbm>> -> memref<64x128xf32, #tpu.memory_space<hbm>>
        %dma_wait3A_447 = arith.constant 0 : i32
        %dma_wait3A_448 = arith.constant 0 : i32
        %dma_wait3A_449 = tpu.memref_slice %arg6[%dma_wait3A_438, %dma_wait3A_447, %dma_wait3A_448] : memref<8x64x128xf32, #tpu.memory_space<vmem>> -> memref<1x64x128xf32, #tpu.memory_space<vmem>>
        %dma_wait3A_450 = tpu.memref_squeeze %dma_wait3A_449 : memref<1x64x128xf32, #tpu.memory_space<vmem>> -> memref<64x128xf32, #tpu.memory_space<vmem>>
        tpu.wait_dma2 semaphore(%arg21 : memref<!tpu.dma_semaphore, #tpu.memory_space<semaphore_mem>>) src(%dma_wait3A_450 : memref<64x128xf32, #tpu.memory_space<vmem>>) dst(%dma_wait3A_446 : memref<64x128xf32, #tpu.memory_space<hbm>>)
      } else {
      }
      %add3A_397 = arith.constant 8 : i32
      %add3A_398 = arith.addi %add3A_391, %add3A_397 : i32
      %sub3A_399 = arith.constant 1 : i32
      %sub3A_400 = arith.subi %add3A_398, %sub3A_399 : i32
      %lt3A_401 = arith.constant 400 : i32
      %lt3A_402 = arith.cmpi slt, %sub3A_400, %lt3A_401 : i32
      %convert_element_type3A_403 = arith.extui %lt3A_402 : i1 to i32
      %cond3A_404 = arith.constant 0 : i32
      %cond3A_405 = arith.cmpi ne, %convert_element_type3A_403, %cond3A_404 : i32
      scf.if %cond3A_405 {
        %add3A_433 = arith.constant 8 : i32
        %add3A_434 = arith.addi %add3A_391, %add3A_433 : i32
        %sub3A_435 = arith.constant 1 : i32
        %sub3A_436 = arith.subi %add3A_434, %sub3A_435 : i32
        %mul3A_437 = arith.constant 64 : i32
        %mul3A_438 = arith.muli %sub3A_436, %mul3A_437 : i32
        %dma_start3A_439 = arith.constant 6 : i32
        %dma_start3A_440 = arith.constant 0 : i32
        %dma_start3A_441 = arith.constant 0 : i32
        %dma_start3A_442 = tpu.memref_slice %arg6[%dma_start3A_439, %dma_start3A_440, %dma_start3A_441] : memref<8x64x128xf32, #tpu.memory_space<vmem>> -> memref<1x64x128xf32, #tpu.memory_space<vmem>>
        %dma_start3A_443 = tpu.memref_squeeze %dma_start3A_442 : memref<1x64x128xf32, #tpu.memory_space<vmem>> -> memref<64x128xf32, #tpu.memory_space<vmem>>
        %dma_start3A_444 = tpu.memref_slice %arg5[%mul3A_438] : memref<25600xi32, #tpu.memory_space<vmem>> -> memref<64xi32, #tpu.memory_space<vmem>>
        %dma_start3A_445 = arith.constant 0 : i32
        %dma_start3A_446 = arith.constant 0 : i32
        %dma_start3A_447 = tpu.memref_slice %arg2[%dma_start3A_445, %dma_start3A_446] : memref<100000x128xf32, #tpu.memory_space<hbm>> -> memref<100000x128xf32, #tpu.memory_space<hbm>>
        tpu.enqueue_indirect_dma source(%dma_start3A_447 : memref<100000x128xf32, #tpu.memory_space<hbm>>) target(%dma_start3A_443 : memref<64x128xf32, #tpu.memory_space<vmem>>) offsets(%dma_start3A_444 : memref<64xi32, #tpu.memory_space<vmem>>) semaphore(%arg13 : memref<!tpu.dma_semaphore, #tpu.memory_space<semaphore_mem>>)
      } else {
      }
      %mul3A_406 = arith.constant 64 : i32
      %mul3A_407 = arith.muli %add3A_391, %mul3A_406 : i32
      %dma_wait3A_408 = arith.constant 7 : i32
      %dma_wait3A_409 = arith.constant 0 : i32
      %dma_wait3A_410 = arith.constant 0 : i32
      %dma_wait3A_411 = tpu.memref_slice %arg6[%dma_wait3A_408, %dma_wait3A_409, %dma_wait3A_410] : memref<8x64x128xf32, #tpu.memory_space<vmem>> -> memref<1x64x128xf32, #tpu.memory_space<vmem>>
      %dma_wait3A_412 = tpu.memref_squeeze %dma_wait3A_411 : memref<1x64x128xf32, #tpu.memory_space<vmem>> -> memref<64x128xf32, #tpu.memory_space<vmem>>
      %dma_wait3A_413 = tpu.memref_slice %arg5[%mul3A_407] : memref<25600xi32, #tpu.memory_space<vmem>> -> memref<64xi32, #tpu.memory_space<vmem>>
      %dma_wait3A_414 = arith.constant 0 : i32
      %dma_wait3A_415 = arith.constant 0 : i32
      %dma_wait3A_416 = tpu.memref_slice %arg2[%dma_wait3A_414, %dma_wait3A_415] : memref<100000x128xf32, #tpu.memory_space<hbm>> -> memref<100000x128xf32, #tpu.memory_space<hbm>>
      tpu.wait_indirect_dma semaphore(%arg14 : memref<!tpu.dma_semaphore, #tpu.memory_space<semaphore_mem>>) src(%dma_wait3A_416 : memref<100000x128xf32, #tpu.memory_space<hbm>>) dst(%dma_wait3A_412 : memref<64x128xf32, #tpu.memory_space<vmem>>)
      %mul3A_417 = arith.constant 64 : i32
      %mul3A_418 = arith.muli %add3A_391, %mul3A_417 : i32
      %add3A_419 = arith.addi %mul3A_2, %mul3A_418 : i32
      %dma_start3A_420 = arith.constant 7 : i32
      %dma_start3A_421 = arith.constant 0 : i32
      %dma_start3A_422 = arith.constant 0 : i32
      %dma_start3A_423 = tpu.memref_slice %arg6[%dma_start3A_420, %dma_start3A_421, %dma_start3A_422] : memref<8x64x128xf32, #tpu.memory_space<vmem>> -> memref<1x64x128xf32, #tpu.memory_space<vmem>>
      %dma_start3A_424 = tpu.memref_squeeze %dma_start3A_423 : memref<1x64x128xf32, #tpu.memory_space<vmem>> -> memref<64x128xf32, #tpu.memory_space<vmem>>
      %dma_start3A_425 = arith.constant 0 : i32
      %dma_start3A_426 = tpu.memref_slice %arg4[%add3A_419, %dma_start3A_425] : memref<819200x128xf32, #tpu.memory_space<hbm>> -> memref<64x128xf32, #tpu.memory_space<hbm>>
      %dma_start3A_427 = arith.constant 0 : i32
      %dma_start3A_428 = tpu.memref_slice %arg4[%add3A_419, %dma_start3A_427] : memref<819200x128xf32, #tpu.memory_space<hbm>> -> memref<64x128xf32, #tpu.memory_space<hbm>>
      %dma_start3A_429 = arith.constant 0 : i32
      %dma_start3A_430 = arith.constant 0 : i32
      %dma_start3A_431 = tpu.memref_slice %arg6[%dma_start3A_420, %dma_start3A_429, %dma_start3A_430] : memref<8x64x128xf32, #tpu.memory_space<vmem>> -> memref<1x64x128xf32, #tpu.memory_space<vmem>>
      %dma_start3A_432 = tpu.memref_squeeze %dma_start3A_431 : memref<1x64x128xf32, #tpu.memory_space<vmem>> -> memref<64x128xf32, #tpu.memory_space<vmem>>
      tpu.enqueue_dma source(%dma_start3A_432 : memref<64x128xf32, #tpu.memory_space<vmem>>) target(%dma_start3A_428 : memref<64x128xf32, #tpu.memory_space<hbm>>) target_semaphore(%arg22 : memref<!tpu.dma_semaphore, #tpu.memory_space<semaphore_mem>>)
    }
    %scan3A_76 = arith.constant 50 : i32
    %add3A_77 = arith.constant 25536 : i32
    %add3A_78 = arith.addi %mul3A_2, %add3A_77 : i32
    %dma_wait3A = arith.constant 7 : i32
    %dma_wait3A_79 = arith.constant 0 : i32
    %dma_wait3A_80 = arith.constant 0 : i32
    %dma_wait3A_81 = tpu.memref_slice %arg6[%dma_wait3A, %dma_wait3A_79, %dma_wait3A_80] : memref<8x64x128xf32, #tpu.memory_space<vmem>> -> memref<1x64x128xf32, #tpu.memory_space<vmem>>
    %dma_wait3A_82 = tpu.memref_squeeze %dma_wait3A_81 : memref<1x64x128xf32, #tpu.memory_space<vmem>> -> memref<64x128xf32, #tpu.memory_space<vmem>>
    %dma_wait3A_83 = arith.constant 0 : i32
    %dma_wait3A_84 = tpu.memref_slice %arg4[%add3A_78, %dma_wait3A_83] : memref<819200x128xf32, #tpu.memory_space<hbm>> -> memref<64x128xf32, #tpu.memory_space<hbm>>
    %dma_wait3A_85 = arith.constant 0 : i32
    %dma_wait3A_86 = tpu.memref_slice %arg4[%add3A_78, %dma_wait3A_85] : memref<819200x128xf32, #tpu.memory_space<hbm>> -> memref<64x128xf32, #tpu.memory_space<hbm>>
    %dma_wait3A_87 = arith.constant 0 : i32
    %dma_wait3A_88 = arith.constant 0 : i32
    %dma_wait3A_89 = tpu.memref_slice %arg6[%dma_wait3A, %dma_wait3A_87, %dma_wait3A_88] : memref<8x64x128xf32, #tpu.memory_space<vmem>> -> memref<1x64x128xf32, #tpu.memory_space<vmem>>
    %dma_wait3A_90 = tpu.memref_squeeze %dma_wait3A_89 : memref<1x64x128xf32, #tpu.memory_space<vmem>> -> memref<64x128xf32, #tpu.memory_space<vmem>>
    tpu.wait_dma2 semaphore(%arg22 : memref<!tpu.dma_semaphore, #tpu.memory_space<semaphore_mem>>) src(%dma_wait3A_90 : memref<64x128xf32, #tpu.memory_space<vmem>>) dst(%dma_wait3A_86 : memref<64x128xf32, #tpu.memory_space<hbm>>)
    return
  }
}

</mosaic_0001>

<sc_bundles>
// kernel: kernel.3.cloned.1.call-start
scs
__scs_entry_jumppad:
0x0: {  	(pc) =	sbr.rel $0x88, $3  }
0x1: {  	(tag) =	ssettag $0x0;
	lr =	simm.s32 $0x1  }
0x2: {  	[smem:$0x3F9F] =	sst lr;
	_ =	strace $0xD0000000  }
0x3: {  	_ = 	snop  }
0x4: {  	_ = 	snop  }
0x5: {  	_ = 	snop  }
0x6: {  	_ = 	snop  }
0x7: {  	_ = 	snop  }
__scs_overlays_trampoline_lowered:
0x8: {  	[smem:$0x3FAE] =	sst s0  }
0x9: {  	[smem:$0x3FAF] =	sst s1  }
0xa: {  	[smem:$0x3FB0] =	sst s2  }
0xb: {  	[smem:$0x3FB1] =	sst s3  }
0xc: {  	[smem:$0x3FB2] =	sst s4  }
0xd: {  	[smem:$0x3FB3] =	sst s5  }
0xe: {  	[smem:$0x3FB4] =	sst s6  }
0xf: {  	[smem:$0x3FB5] =	sst s7  }
0x10: {  	[smem:$0x3FB6] =	sst s8  }
0x11: {  	[smem:$0x3FB7] =	sst s9;
	s0 =	simm.s32 @!p0 $0x0  }
0x12: {  	s1 =	sld [smem:$0x3F9D];
	s0 =	simm.s32 @p0 $0x1  }
0x13: {  	[smem:$0x3FB8] =	sst s0;
	s0 =	simm.s32 @!p1 $0x0  }
0x14: {  	s2 =	sld [smem:$0x3F9C];
	s0 =	simm.s32 @p1 $0x1  }
0x15: {  	[smem:$0x3FB9] =	sst s0;
	s0 =	simm.s32 @!p2 $0x0  }
0x16: {  	s3 =	sld [smem:$0x3FDB];
	s0 =	simm.s32 @p2 $0x1  }
0x17: {  	s4 =	simm.s32 $0x1BF5;
	[smem:$0x3FBB] =	sst s0  }
0x18: {  	s0 =	sld [smem:$0x3F9E];
	_ =	swait.ge [sflag:s4], $0x0  }
0x19: {  	s7 =	sld [smem:$0x3F9F]  }
0x1a: {  	s8 =	sadd.s32 $0xFFFFE003, lr  }
0x1b: {  	s9 =	sadd.s32 $0xFFFFFEF7, lr;
	s5 =	simm.s32 $0xFFFFFFFF;
	p2 =	slt.u32 s8, $0xFFFFF086  }
0x1c: {  	p1 =	slt.u32 s9, $0xF7A;
	s5 =	simm.s32 @!p2 $0x0  }
0x1d: {  	s5 =	simm.s32 @p1 $0x1;
	p0 =	seq.s32 s7, s2  }
0x1e: {  	s7 =	smul.u32 @!p0 $0xF7A, s2;
	p2 =	seq.s32 @!p0 s5, $0x0  }
0x1f: {  	s9 =	smul.u32 $0xF7A, s1;
	s8 =	simm.s32 @!p0 $0x1BF5;
	p2 =	por !p2, p0  }
0x20: {  	[sflag:s8] =	ssyncset.s32 @!p0 $0xFFFFF086;
	s6 =	sadd.s32 @!p0 s3, s7;
	s7 =	simm.s32 @!p0 $0x108  }
0x21: {  	s3 =	sadd.s32 s3, s9;
	s6 =	sadd.s32 @!p0 $0x88, s6;
	s7 =	simm.s32 @p2 $0x1082  }
0x22: {  	[simem:s7], [sflag:s8] =	dma.local @!p0 [hbm:s6], $0xF7A  }
0x23: {  	s9 =	sor.u32 $0xD0000000, s2;
	s6 =	simm.s32 $0x108;
	_ =	swait.ge @!p0 [sflag:s8], $0x0  }
0x24: {  	s3 =	sadd.s32 $0x88, s3;
	s6 =	simm.s32 @!p1 $0x1082;
	[sflag:s4] =	ssyncset.s32 $0xFFFFF086  }
0x25: {  	[simem:s6], [sflag:s4] =	dma.local [hbm:s3], $0xF7A  }
0x26: {  	[smem:$0x3F9F] =	sst s1;
	(tag) =	ssettag s2;
	_ =	strace s9  }
0x27: {  	s1 =	sld [smem:$0x3FAF]  }
0x28: {  	s2 =	sld [smem:$0x3FB0]  }
0x29: {  	s4 =	sld [smem:$0x3FB2]  }
0x2a: {  	p0 =	seq.s32 s5, $0x0;
	s5 =	sld [smem:$0x3FB3]  }
0x2b: {  	s6 =	sld [smem:$0x3FB4]  }
0x2c: {  	s7 =	sld [smem:$0x3FB5]  }
0x2d: {  	s3 =	simm.s32 $0x108;
	s8 =	sld [smem:$0x3FB6]  }
0x2e: {  	s3 =	simm.s32 @!p0 $0x1082;
	s9 =	sld [smem:$0x3FB7]  }
0x2f: {  	lr =	sadd.s32 s0, s3;
	s0 =	sld [smem:$0x3FAE]  }
0x30: {  	s3 =	sld [smem:$0x3FB1]  }
0x31: {  	[smem:$0x3FBA] =	sst s10  }
0x32: {  	s10 =	sld [smem:$0x3FB8];
	_ =	sdelay $0x3  }
0x33: {  	p0 =	seq.s32 s10, $0x1;
	s10 =	sld [smem:$0x3FBA];
	_ =	sdelay $0x3  }
0x34: {  	[smem:$0x3FBA] =	sst s10  }
0x35: {  	s10 =	sld [smem:$0x3FB9];
	_ =	sdelay $0x3  }
0x36: {  	p1 =	seq.s32 s10, $0x1;
	s10 =	sld [smem:$0x3FBA];
	_ =	sdelay $0x3  }
0x37: {  	[smem:$0x3FBA] =	sst s10  }
0x38: {  	s10 =	sld [smem:$0x3FBB]  }
0x39: {  	_ = 	snop;
	(pc) =	sbr.ind lr, $3  }
0x3a: {  	_ = 	snop  }
0x3b: {  	_ = 	snop  }
0x3c: {  	p2 =	seq.s32 s10, $0x1;
	s10 =	sld [smem:$0x3FBA]  }
0x3d: {  	_ =	shalt  }
0x3e: {  	_ =	shalt  }
0x3f: {  	_ =	shalt  }
0x40: {  	_ =	shalt  }
0x41: {  	_ =	shalt  }
0x42: {  	_ =	shalt  }
0x43: {  	_ =	shalt  }
0x44: {  	_ =	shalt  }
0x45: {  	_ =	shalt  }
0x46: {  	_ =	shalt  }
0x47: {  	_ =	shalt  }
0x48: {  	_ =	shalt  }
0x49: {  	_ =	shalt  }
0x4a: {  	_ =	shalt  }
0x4b: {  	_ =	shalt  }
0x4c: {  	_ =	shalt  }
0x4d: {  	_ =	shalt  }
0x4e: {  	_ =	shalt  }
0x4f: {  	_ =	shalt  }
0x50: {  	_ =	shalt  }
0x51: {  	_ =	shalt  }
0x52: {  	_ =	shalt  }
0x53: {  	_ =	shalt  }
0x54: {  	_ =	shalt  }
0x55: {  	_ =	shalt  }
0x56: {  	_ =	shalt  }
0x57: {  	_ =	shalt  }
0x58: {  	_ =	shalt  }
0x59: {  	_ =	shalt  }
0x5a: {  	_ =	shalt  }
0x5b: {  	_ =	shalt  }
0x5c: {  	_ =	shalt  }
0x5d: {  	_ =	shalt  }
0x5e: {  	_ =	shalt  }
0x5f: {  	_ =	shalt  }
0x60: {  	_ =	shalt  }
0x61: {  	_ =	shalt  }
0x62: {  	_ =	shalt  }
0x63: {  	_ =	shalt  }
0x64: {  	_ =	shalt  }
0x65: {  	_ =	shalt  }
0x66: {  	_ =	shalt  }
0x67: {  	_ =	shalt  }
0x68: {  	_ =	shalt  }
0x69: {  	_ =	shalt  }
0x6a: {  	_ =	shalt  }
0x6b: {  	_ =	shalt  }
0x6c: {  	_ =	shalt  }
0x6d: {  	_ =	shalt  }
0x6e: {  	_ =	shalt  }
0x6f: {  	_ =	shalt  }
0x70: {  	_ =	shalt  }
0x71: {  	_ =	shalt  }
0x72: {  	_ =	shalt  }
0x73: {  	_ =	shalt  }
0x74: {  	_ =	shalt  }
0x75: {  	_ =	shalt  }
0x76: {  	_ =	shalt  }
0x77: {  	_ =	shalt  }
0x78: {  	_ =	shalt  }
0x79: {  	_ =	shalt  }
0x7a: {  	_ =	shalt  }
0x7b: {  	_ =	shalt  }
0x7c: {  	_ =	shalt  }
0x7d: {  	_ =	shalt  }
0x7e: {  	_ =	shalt  }
0x7f: {  	_ =	shalt  }
0x80: {  	_ =	shalt  }
0x81: {  	_ =	shalt  }
0x82: {  	_ =	shalt  }
0x83: {  	_ =	shalt  }
0x84: {  	_ =	shalt  }
0x85: {  	_ =	shalt  }
0x86: {  	_ =	shalt  }
0x87: {  	_ =	shalt  }
.Lfunc_end0:
.L_simem_size_0:
called_computation_lowered:
.L_overlay_start_0:
0x88: {  	s2 =	sld [smem:$0x3FD9]  }
0x89: {  	s3 =	sld [smem:$0x3FFE];
	_ =	sdelay $0x1  }
0x8a: {  	s1 =	srdreg.scid  }
0x8b: {  	s0 =	sand.u32 $0x1, s1  }
0x8c: {  	s17 =	sshll.u32 s0, $0xA;
	s2 =	sadd.s32 s3, s2  }
0x8d: {  	s2 =	sadd.s32 s2, s17  }
0x8e: {  	[smem:$0x3FC6] =	sst s2  }
0x8f: {  	_ = 	snop  }
0x90: {  	s2 =	sld [smem:$0x3FC8]  }
0x91: {  	s18 =	sld [smem:$0x3FD0];
	(tm) =	ssettm $0x1  }
0x92: {  	s4 =	sld [smem:$0x3FFB];
	_ =	sdelay $0x3  }
0x93: {  	_ =	strace s4  }
0x94: {  	s4 =	sld [smem:$0x3FFC];
	_ =	sdelay $0x3  }
0x95: {  	_ =	strace s4  }
0x96: {  	s4 =	sld [smem:$0x3FFD];
	_ =	sdelay $0x3  }
0x97: {  	_ =	strace s4  }
0x98: {  	_ =	strace $0x8FFFFFFF  }
0x99: {  	s19 =	sld [smem:$0x3FDB];
	_ =	sdelay $0x1  }
0x9a: {  	s5 =	simm.s32 $_scs_section_size  }
0x9b: {  	s6 =	simm.s32 $_size__tile_overlayer_lowered;
	s7 =	simm.s32 $_tile_overlayer_lowered  }
0x9c: {  	s22 =	simm.s32 $0x1BFF;
	s21 =	sshll.u32 s7, $0x1;
	s4 =	sadd.s32 s5, s19  }
0x9d: {  	s8 =	simm.s32 $0x0;
	s20 =	sshll.u32 s6, $0x1;
	s6 =	sadd.s32 s21, s4  }
0x9e: {  	[timem:s8], [sflag:s22] =	dma.local [hbm:s6], s20  }
0x9f: {  	_ =	swait.ge [sflag:s22], s20  }
0xa0: {  	s5 =	ssub.s32 $0x0, s20;
	[sflag:s22] =	ssyncset.done $0x0  }
0xa1: {  	[sflag:s22] =	ssyncadd.s32 s5;
	_ =	sdelay $0x1  }
0xa2: {  	s23 =	simm.s32 $0x1B8B  }
0xa3: {  	_ =	swait.ge [sflag:s23], $0x1  }
0xa4: {  	[sflag:s23] =	ssyncset.done $0x0  }
0xa5: {  	s25 =	simm.s32 $0x1B8E;
	s24 =	sld [smem:$0x3FFE];
	[sflag:s23] =	ssyncadd.s32 $0xFFFFFFFF  }
0xa6: {  	s26 =	simm.s32 $execute0_lowered;
	[smem:$0x3FD2] =	sst s25  }
0xa7: {  	s6 =	sshll.u32 s26, $0x1;
	_ =	strace $0x80000046;
	[dreg:$0x1] =	wrdreg $0xFFFFFFFF  }
0xa8: {  	s28 =	simm.s32 $_size_execute0_lowered;
	s4 =	sadd.s32 s4, s6;
	[dreg:$0x0] =	wrdreg $0x0  }
0xa9: {  	s6 =	sshll.u32 s28, $0x1;
	[dreg:$0x2] =	wrdreg s4  }
0xaa: {  	[dreg:$0x3] =	wrdreg s6  }
0xab: {  	[dreg:$0x4] =	wrdreg $0xC0  }
0xac: {  	_ =	task [dreg:s8], $0x5FFFF  }
0xad: {  	[dreg:$0x1] =	wrdreg $0xFFFFFFFF  }
0xae: {  	[dreg:$0x0] =	wrdreg $0x60  }
0xaf: {  	[dreg:$0x2] =	wrdreg s2  }
0xb0: {  	[dreg:$0x3] =	wrdreg s24  }
0xb1: {  	[dreg:$0x4] =	wrdreg s18  }
0xb2: {  	[dreg:$0x5] =	wrdreg $0x9  }
0xb3: {  	_ =	task.clear_ibuf [dreg:s8], $0x6FFFF;
	_ =	strace $0x90000046  }
0xb4: {  	s29 =	simm.s32 $0x9;
	_ =	strace $0x80000048  }
0xb5: {  	_ =	swait.ge [sflag:s29], $0x1  }
0xb6: {  	[sflag:s29] =	ssyncadd.s32 $0xFFFFFFFF  }
0xb7: {  	_ =	strace $0x90000048  }
0xb8: {  	_ =	sfence  }
0xb9: {  	s30 =	sld [smem:$0x0];
	_ =	sdelay $0x2  }
0xba: {  	s31 =	sshll.u32 s1, $0xD;
	s1 =	sshrl.u32 s1, $0x2  }
0xbb: {  	s3 =	sand.u32 $0x4000, s31;
	s1 =	sadd.s32 s1, s30  }
0xbc: {  	s0 =	sor.u32 s3, s0;
	s1 =	sshll.u32 s1, $0x11  }
0xbd: {  	s0 =	sor.u32 s1, s0  }
0xbe: {  	s0 =	sadd.s32 $0x8F2B, s0  }
0xbf: {  	[sflag:s0] =	ssyncadd.remote.s32 $0x1  }
0xc0: {  	_ =	sfence.sel $0xFFFF  }
0xc1: {  	[dreg:$0x0] =	wrdreg $0xFFFFFFFF;
	(pc) =	sbr.abs _section_cstart, $3  }
0xc2: {  	[dreg:$0x1] =	wrdreg $0xFFFFFFFF  }
0xc3: {  	_ =	task.clear_ibuf [dreg:s8], $0x2FFFF;
	_ =	strace $0x9FFFFFFF  }
0xc4: {  	(tm) =	ssettm $0x7FFFFFFF  }
0xc5: {  	_ =	shalt  }
tec
execute0_lowered:
.L_overlay_start_1:
0x0: {  	(tag) =	ssettag $0x1  }
0x1: {  	s1 =	rddreg [dreg:$0x0];
	s0 =	srdreg.scid  }
0x2: {  	s7 =	stileid.u32;
	s2 =	rddreg [dreg:$0x1];
	s4 =	simm.s32 $0x0  }
0x3: {  	s21 =	simm.s32 $0x14400;
	s22 =	simm.s32 $0x1;
	s28 =	simm.s32 $0xB  }
0x4: {  	s29 =	simm.s32 $0x4;
	s30 =	simm.s32 $0xC;
	s31 =	simm.s32 $0x5  }
0x5: {  	s11 =	simm.s32 $0xE;
	s13 =	simm.s32 $0x7;
	s5 =	smul.u32 $0x640000, s7  }
0x6: {  	s0 =	sand.u32 $0x1, s0;
	s3 =	sshll.u32 s7, $0x1;
	s7 =	smul.u32 $0xC8000, s7  }
0x7: {  	s15 =	simm.s32 $0xF;
	s17 =	simm.s32 $0x8;
	s6 =	smul.u32 $0x320000, s0  }
0x8: {  	s3 =	sor.u32 s0, s3;
	s23 =	ssub.s32 $0x2, s0;
	s0 =	smul.u32 $0x64000, s0  }
0x9: {  	s20 =	simm.s32 $0x8400;
	[smem:$0x7FF] =	sst s4;
	s3 =	smul.u32 $0x6400, s3  }
0xa: {  	_ =	strace $0x80000047;
	s8 =	sshrl.u32 s23, $0x1;
	s5 =	sadd.s32 s6, s5  }
0xb: {  	s0 =	sadd.s32 s0, s7;
	s6 =	simm.s32 $0x0;
	s3 =	sshrl.u32 s3, $0x3  }
0xc: {  	s24 =	sshrl.u32 s5, $0x3;
	s25 =	sor.u32 $0xE000, s5;
	[dreg:$0x5] =	wrdreg s0  }
0xd: {  	s0 =	simm.s32 $0x6;
	s2 =	sadd.s32 s3, s2;
	s3 =	ssub.s32 s23, s8  }
0xe: {  	[dreg:$0x4] =	wrdreg s24;
	s26 =	sshrl.u32 s25, $0x3;
	s23 =	simm.s32 $0x9  }
0xf: {  	s24 =	simm.s32 $0x2;
	s2 =	sadd.s32 $0x400, s2;
	[dreg:$0x6] =	wrdreg s26  }
0x10: {  	s25 =	simm.s32 $0xA;
	s3 =	smax.u32 s3, $0x1;
	[dreg:$0x7] =	wrdreg s2  }
0x11: {  	s26 =	simm.s32 $0x3;
	[dreg:$0x8] =	wrdreg s3;
	s2 =	simm.s32 $0xD  }
.LBB2_1:
0x12: {  	[dreg:$0x9] =	wrdreg s6  }
0x13: {  	s3 =	rddreg [dreg:$0x7];
	s9 =	simm.s32 $0x11  }
0x14: {  	[tilespmem:s4], [sflag:$0x11] =	stream.linear.gather [hbm4b:s3+s4], $0x6400, $0x38;
	[tilespmem:$0x16400] =	vst v63  }
0x15: {  	_ =	swait.ge [sflag:s9], $0x6400  }
0x16: {  	[sflag:s9] =	ssyncset.done $0x0  }
0x17: {  	s5 =	simm.s32 $0x40;
	s6 =	simm.s32 $0x6400;
	[sflag:s9] =	ssyncadd.s32 $0xFFFF9C00  }
0x18: {  	[tilespmem:s6], [sflag:$0x1] =	stream.indirect.gather [hbm4b:s1+s5], $0x80, s4, s5, $0xb8;
	[tilespmem:$0x16400] =	vst v63  }
0x19: {  	s7 =	simm.s32 $0x8400  }
0x1a: {  	[tilespmem:s7], [sflag:$0x2] =	stream.indirect.gather [hbm4b:s1+s5], $0x80, s5, s5, $0xb8;
	[tilespmem:$0x16400] =	vst v63  }
0x1b: {  	s10 =	simm.s32 $0x80;
	s9 =	simm.s32 $0xA400  }
0x1c: {  	[tilespmem:s9], [sflag:$0x3] =	stream.indirect.gather [hbm4b:s1+s5], $0x80, s10, s5, $0xb8;
	[tilespmem:$0x16400] =	vst v63  }
0x1d: {  	s12 =	simm.s32 $0xC0;
	s10 =	simm.s32 $0xC400  }
0x1e: {  	[tilespmem:s10], [sflag:$0x4] =	stream.indirect.gather [hbm4b:s1+s5], $0x80, s12, s5, $0xb8;
	[tilespmem:$0x16400] =	vst v63  }
0x1f: {  	s14 =	simm.s32 $0x100;
	p0 =	por $0x1, $0x1;
	s12 =	simm.s32 $0xE400  }
0x20: {  	[tilespmem:s12], [sflag:$0x5] =	stream.indirect.gather [hbm4b:s1+s5], $0x80, s14, s5, $0xb8;
	[tilespmem:$0x16400] =	vst v63  }
0x21: {  	s16 =	simm.s32 $0x140;
	p0 =	por p0, p0;
	s14 =	simm.s32 $0x10400  }
0x22: {  	[tilespmem:s14], [sflag:$0x6] =	stream.indirect.gather [hbm4b:s1+s5], $0x80, s16, s5, $0xb8;
	[tilespmem:$0x16400] =	vst v63  }
0x23: {  	s18 =	simm.s32 $0x180;
	s3 =	simm.s32 @!p0 $0x10;
	s16 =	simm.s32 $0x12400  }
0x24: {  	[tilespmem:s16], [sflag:$0x7] =	stream.indirect.gather [hbm4b:s1+s5], $0x80, s18, s5, $0xb8;
	[tilespmem:$0x16400] =	vst v63  }
0x25: {  	_ =	swait.ge @!p0 [sflag:s3], $0x2000  }
0x26: {  	[sflag:s3] =	ssyncset.done @!p0 $0x0  }
0x27: {  	s19 =	simm.s32 $0x1C0;
	[sflag:s3] =	ssyncadd.s32 @!p0 $0xFFFFE000  }
0x28: {  	[tilespmem:s21], [sflag:$0x8] =	stream.indirect.gather [hbm4b:s1+s5], $0x80, s19, s5, $0xb8;
	[tilespmem:$0x16400] =	vst v63  }
0x29: {  	_ =	swait.ge [sflag:s22], $0x2000  }
0x2a: {  	[sflag:s22] =	ssyncset.done $0x0  }
0x2b: {  	s5 =	rddreg [dreg:$0x4];
	[sflag:s22] =	ssyncadd.s32 $0xFFFFE000  }
0x2c: {  	s8 =	rddreg [dreg:$0x2]  }
0x2d: {  	s3 =	sadd.s32 s8, s5  }
0x2e: {  	[hbm4b:s3+s4] =	stream.linear.scatter [tilespmem:s6], [sflag:$0x9], $0x2000, $0x38;
	[tilespmem:$0x16400] =	vst v63  }
0x2f: {  	p0 =	por $0x0, $0x0;
	_ =	swait.ge [sflag:s23], $0x2000  }
0x30: {  	s5 =	simm.s32 @!p0 $0x6400;
	[sflag:s23] =	ssyncset.done $0x0  }
0x31: {  	s6 =	simm.s32 @!p0 $0x200;
	s3 =	simm.s32 @!p0 $0x40;
	[sflag:s23] =	ssyncadd.s32 $0xFFFFE000  }
0x32: {  	[tilespmem:s5], [sflag:$0x1] =	stream.indirect.gather @!p0 [hbm4b:s1+s3], $0x80, s6, s3, $0xb8;
	[tilespmem:$0x16400] =	vst v63  }
0x33: {  	_ =	swait.ge [sflag:s24], $0x2000  }
0x34: {  	s18 =	rddreg [dreg:$0x5]  }
0x35: {  	[sflag:s24] =	ssyncset.done $0x0;
	s5 =	sadd.s32 s8, s18  }
0x36: {  	[sflag:s24] =	ssyncadd.s32 $0xFFFFE000;
	s19 =	sadd.s32 $0x400, s5  }
0x37: {  	[hbm4b:s19+s4] =	stream.linear.scatter [tilespmem:s7], [sflag:$0xA], $0x2000, $0x38;
	[tilespmem:$0x16400] =	vst v63  }
0x38: {  	_ =	swait.ge [sflag:s25], $0x2000  }
0x39: {  	[sflag:s25] =	ssyncset.done $0x0  }
0x3a: {  	s6 =	simm.s32 @!p0 $0x240;
	s7 =	simm.s32 @!p0 $0x8400;
	[sflag:s25] =	ssyncadd.s32 $0xFFFFE000  }
0x3b: {  	[tilespmem:s7], [sflag:$0x2] =	stream.indirect.gather @!p0 [hbm4b:s1+s3], $0x80, s6, s3, $0xb8;
	[tilespmem:$0x16400] =	vst v63  }
0x3c: {  	_ =	swait.ge [sflag:s26], $0x2000  }
0x3d: {  	[sflag:s26] =	ssyncset.done $0x0  }
0x3e: {  	s7 =	sadd.s32 $0x800, s5;
	[sflag:s26] =	ssyncadd.s32 $0xFFFFE000  }
0x3f: {  	[hbm4b:s7+s4] =	stream.linear.scatter [tilespmem:s9], [sflag:$0xB], $0x2000, $0x38;
	[tilespmem:$0x16400] =	vst v63  }
0x40: {  	_ =	swait.ge [sflag:s28], $0x2000  }
0x41: {  	[sflag:s28] =	ssyncset.done $0x0  }
0x42: {  	s6 =	simm.s32 @!p0 $0x280;
	s7 =	simm.s32 @!p0 $0xA400;
	[sflag:s28] =	ssyncadd.s32 $0xFFFFE000  }
0x43: {  	[tilespmem:s7], [sflag:$0x3] =	stream.indirect.gather @!p0 [hbm4b:s1+s3], $0x80, s6, s3, $0xb8;
	[tilespmem:$0x16400] =	vst v63  }
0x44: {  	_ =	swait.ge [sflag:s29], $0x2000  }
0x45: {  	[sflag:s29] =	ssyncset.done $0x0  }
0x46: {  	s9 =	sadd.s32 $0xC00, s5;
	[sflag:s29] =	ssyncadd.s32 $0xFFFFE000  }
0x47: {  	[hbm4b:s9+s4] =	stream.linear.scatter [tilespmem:s10], [sflag:$0xC], $0x2000, $0x38;
	[tilespmem:$0x16400] =	vst v63  }
0x48: {  	_ =	swait.ge [sflag:s30], $0x2000  }
0x49: {  	[sflag:s30] =	ssyncset.done $0x0  }
0x4a: {  	s6 =	simm.s32 @!p0 $0x2C0;
	s7 =	simm.s32 @!p0 $0xC400;
	[sflag:s30] =	ssyncadd.s32 $0xFFFFE000  }
0x4b: {  	[tilespmem:s7], [sflag:$0x4] =	stream.indirect.gather @!p0 [hbm4b:s1+s3], $0x80, s6, s3, $0xb8;
	[tilespmem:$0x16400] =	vst v63  }
0x4c: {  	_ =	swait.ge [sflag:s31], $0x2000  }
0x4d: {  	[sflag:s31] =	ssyncset.done $0x0  }
0x4e: {  	s10 =	sadd.s32 $0x1000, s5;
	[sflag:s31] =	ssyncadd.s32 $0xFFFFE000  }
0x4f: {  	[hbm4b:s10+s4] =	stream.linear.scatter [tilespmem:s12], [sflag:$0xD], $0x2000, $0x38;
	[tilespmem:$0x16400] =	vst v63  }
0x50: {  	_ =	swait.ge [sflag:s2], $0x2000  }
0x51: {  	[sflag:s2] =	ssyncset.done $0x0  }
0x52: {  	s6 =	simm.s32 @!p0 $0x300;
	s7 =	simm.s32 @!p0 $0xE400;
	[sflag:s2] =	ssyncadd.s32 $0xFFFFE000  }
0x53: {  	[tilespmem:s7], [sflag:$0x5] =	stream.indirect.gather @!p0 [hbm4b:s1+s3], $0x80, s6, s3, $0xb8;
	[tilespmem:$0x16400] =	vst v63  }
0x54: {  	_ =	swait.ge [sflag:s0], $0x2000  }
0x55: {  	[sflag:s0] =	ssyncset.done $0x0  }
0x56: {  	s12 =	sadd.s32 $0x1400, s5;
	[sflag:s0] =	ssyncadd.s32 $0xFFFFE000  }
0x57: {  	[hbm4b:s12+s4] =	stream.linear.scatter [tilespmem:s14], [sflag:$0xE], $0x2000, $0x38;
	[tilespmem:$0x16400] =	vst v63  }
0x58: {  	_ =	swait.ge [sflag:s11], $0x2000  }
0x59: {  	[sflag:s11] =	ssyncset.done $0x0  }
0x5a: {  	s6 =	simm.s32 @!p0 $0x340;
	s7 =	simm.s32 @!p0 $0x10400;
	[sflag:s11] =	ssyncadd.s32 $0xFFFFE000  }
0x5b: {  	[tilespmem:s7], [sflag:$0x6] =	stream.indirect.gather @!p0 [hbm4b:s1+s3], $0x80, s6, s3, $0xb8;
	[tilespmem:$0x16400] =	vst v63  }
0x5c: {  	_ =	swait.ge [sflag:s13], $0x2000  }
0x5d: {  	[sflag:s13] =	ssyncset.done $0x0  }
0x5e: {  	s5 =	sadd.s32 $0x1800, s5;
	[sflag:s13] =	ssyncadd.s32 $0xFFFFE000  }
0x5f: {  	[hbm4b:s5+s4] =	stream.linear.scatter [tilespmem:s16], [sflag:$0xF], $0x2000, $0x38;
	[tilespmem:$0x16400] =	vst v63  }
0x60: {  	_ =	swait.ge [sflag:s15], $0x2000  }
0x61: {  	p6 =	por $0x0, $0x0;
	[sflag:s15] =	ssyncset.done $0x0  }
0x62: {  	s6 =	simm.s32 @!p0 $0x12400;
	s5 =	simm.s32 @!p0 $0x380;
	[sflag:s15] =	ssyncadd.s32 $0xFFFFE000  }
0x63: {  	[tilespmem:s6], [sflag:$0x7] =	stream.indirect.gather @!p0 [hbm4b:s1+s3], $0x80, s5, s3, $0xb8;
	[tilespmem:$0x16400] =	vst v63  }
0x64: {  	s19 =	simm.s32 $0x1000;
	s7 =	simm.s32 $0x800;
	_ =	swait.ge [sflag:s17], $0x2000  }
0x65: {  	p0 =	por p6, p6;
	s18 =	rddreg [dreg:$0x6];
	[sflag:s17] =	ssyncset.done $0x0  }
0x66: {  	s6 =	sadd.s32 $0x2000, s8;
	[sflag:s17] =	ssyncadd.s32 $0xFFFFE000;
	s3 =	sadd.s32 s8, s18  }
.LBB2_2:
0x67: {  	[hbm4b:s3+s4] =	stream.linear.scatter [tilespmem:s21], [sflag:$0x10], $0x2000, $0x38;
	[tilespmem:$0x16400] =	vst v63  }
0x68: {  	s3 =	simm.s32 @!p0 $0x10  }
0x69: {  	_ =	swait.ge @!p0 [sflag:s3], $0x2000  }
0x6a: {  	s5 =	sshra.s32 s7, $0x2;
	[sflag:s3] =	ssyncset.done @!p0 $0x0  }
0x6b: {  	s8 =	simm.s32 $0x40;
	s5 =	sadd.s32 $0x1C0, s5;
	[sflag:s3] =	ssyncadd.s32 @!p0 $0xFFFFE000  }
0x6c: {  	[tilespmem:s21], [sflag:$0x8] =	stream.indirect.gather [hbm4b:s1+s8], $0x80, s5, s8, $0xb8;
	[tilespmem:$0x16400] =	vst v63  }
0x6d: {  	s9 =	smov.u32 s19;
	_ =	swait.ge [sflag:s22], $0x2000  }
0x6e: {  	s12 =	simm.s32 $0x6400;
	s10 =	rddreg [dreg:$0x4];
	[sflag:s22] =	ssyncset.done $0x0  }
0x6f: {  	p2 =	seq.s32 s9, $0x0;
	[sflag:s22] =	ssyncadd.s32 $0xFFFFE000;
	s3 =	sadd.s32 s6, s10  }
0x70: {  	[hbm4b:s3+s4] =	stream.linear.scatter [tilespmem:s12], [sflag:$0x9], $0x2000, $0x38;
	[tilespmem:$0x16400] =	vst v63  }
0x71: {  	p0 =	por p2, p2;
	p2 =	seq.s32 s7, $0x18800;
	_ =	swait.ge [sflag:s23], $0x2000  }
0x72: {  	s5 =	sshra.s32 @!p2 s7, $0x2;
	s7 =	simm.s32 @!p2 $0x6400;
	[sflag:s23] =	ssyncset.done $0x0  }
0x73: {  	s8 =	sadd.s32 @!p2 $0x200, s5;
	s3 =	simm.s32 @!p2 $0x40;
	[sflag:s23] =	ssyncadd.s32 $0xFFFFE000  }
0x74: {  	[tilespmem:s7], [sflag:$0x1] =	stream.indirect.gather @!p2 [hbm4b:s1+s3], $0x80, s8, s3, $0xb8;
	[tilespmem:$0x16400] =	vst v63  }
0x75: {  	_ =	swait.ge [sflag:s24], $0x2000  }
0x76: {  	s16 =	rddreg [dreg:$0x5]  }
0x77: {  	s7 =	smov.u32 s9;
	[sflag:s24] =	ssyncset.done $0x0;
	s9 =	sadd.s32 s6, s16  }
0x78: {  	[sflag:s24] =	ssyncadd.s32 $0xFFFFE000;
	s16 =	sadd.s32 $0x400, s9  }
0x79: {  	[hbm4b:s16+s4] =	stream.linear.scatter [tilespmem:s20], [sflag:$0xA], $0x2000, $0x38;
	[tilespmem:$0x16400] =	vst v63  }
0x7a: {  	_ =	swait.ge [sflag:s25], $0x2000  }
0x7b: {  	[sflag:s25] =	ssyncset.done $0x0  }
0x7c: {  	s12 =	sadd.s32 @!p2 $0x240, s5;
	s16 =	simm.s32 @!p2 $0x8400;
	[sflag:s25] =	ssyncadd.s32 $0xFFFFE000  }
0x7d: {  	[tilespmem:s16], [sflag:$0x2] =	stream.indirect.gather @!p2 [hbm4b:s1+s3], $0x80, s12, s3, $0xb8;
	[tilespmem:$0x16400] =	vst v63  }
0x7e: {  	_ =	swait.ge [sflag:s26], $0x2000  }
0x7f: {  	[sflag:s26] =	ssyncset.done $0x0  }
0x80: {  	s12 =	sadd.s32 $0x800, s9;
	s16 =	simm.s32 $0xA400;
	[sflag:s26] =	ssyncadd.s32 $0xFFFFE000  }
0x81: {  	[hbm4b:s12+s4] =	stream.linear.scatter [tilespmem:s16], [sflag:$0xB], $0x2000, $0x38;
	[tilespmem:$0x16400] =	vst v63  }
0x82: {  	_ =	swait.ge [sflag:s28], $0x2000  }
0x83: {  	[sflag:s28] =	ssyncset.done $0x0  }
0x84: {  	s14 =	sadd.s32 @!p2 $0x280, s5;
	s12 =	simm.s32 @!p2 $0xA400;
	[sflag:s28] =	ssyncadd.s32 $0xFFFFE000  }
0x85: {  	[tilespmem:s12], [sflag:$0x3] =	stream.indirect.gather @!p2 [hbm4b:s1+s3], $0x80, s14, s3, $0xb8;
	[tilespmem:$0x16400] =	vst v63  }
0x86: {  	_ =	swait.ge [sflag:s29], $0x2000  }
0x87: {  	[sflag:s29] =	ssyncset.done $0x0  }
0x88: {  	s16 =	simm.s32 $0xC400;
	s14 =	sadd.s32 $0xC00, s9;
	[sflag:s29] =	ssyncadd.s32 $0xFFFFE000  }
0x89: {  	[hbm4b:s14+s4] =	stream.linear.scatter [tilespmem:s16], [sflag:$0xC], $0x2000, $0x38;
	[tilespmem:$0x16400] =	vst v63  }
0x8a: {  	_ =	swait.ge [sflag:s30], $0x2000  }
0x8b: {  	[sflag:s30] =	ssyncset.done $0x0  }
0x8c: {  	s18 =	sadd.s32 @!p2 $0x2C0, s5;
	s12 =	simm.s32 @!p2 $0xC400;
	[sflag:s30] =	ssyncadd.s32 $0xFFFFE000  }
0x8d: {  	[tilespmem:s12], [sflag:$0x4] =	stream.indirect.gather @!p2 [hbm4b:s1+s3], $0x80, s18, s3, $0xb8;
	[tilespmem:$0x16400] =	vst v63  }
0x8e: {  	_ =	swait.ge [sflag:s31], $0x2000  }
0x8f: {  	[sflag:s31] =	ssyncset.done $0x0  }
0x90: {  	s16 =	sadd.s32 $0x1000, s9;
	s18 =	simm.s32 $0xE400;
	[sflag:s31] =	ssyncadd.s32 $0xFFFFE000  }
0x91: {  	[hbm4b:s16+s4] =	stream.linear.scatter [tilespmem:s18], [sflag:$0xD], $0x2000, $0x38;
	[tilespmem:$0x16400] =	vst v63  }
0x92: {  	_ =	swait.ge [sflag:s2], $0x2000  }
0x93: {  	[sflag:s2] =	ssyncset.done $0x0  }
0x94: {  	s8 =	sadd.s32 @!p2 $0x300, s5;
	s12 =	simm.s32 @!p2 $0xE400;
	[sflag:s2] =	ssyncadd.s32 $0xFFFFE000  }
0x95: {  	[tilespmem:s12], [sflag:$0x5] =	stream.indirect.gather @!p2 [hbm4b:s1+s3], $0x80, s8, s3, $0xb8;
	[tilespmem:$0x16400] =	vst v63  }
0x96: {  	_ =	swait.ge [sflag:s0], $0x2000  }
0x97: {  	[sflag:s0] =	ssyncset.done $0x0  }
0x98: {  	s16 =	sadd.s32 $0x1400, s9;
	s18 =	simm.s32 $0x10400;
	[sflag:s0] =	ssyncadd.s32 $0xFFFFE000  }
0x99: {  	[hbm4b:s16+s4] =	stream.linear.scatter [tilespmem:s18], [sflag:$0xE], $0x2000, $0x38;
	[tilespmem:$0x16400] =	vst v63  }
0x9a: {  	_ =	swait.ge [sflag:s11], $0x2000  }
0x9b: {  	[sflag:s11] =	ssyncset.done $0x0  }
0x9c: {  	s10 =	sadd.s32 @!p2 $0x340, s5;
	s8 =	simm.s32 @!p2 $0x10400;
	[sflag:s11] =	ssyncadd.s32 $0xFFFFE000  }
0x9d: {  	[tilespmem:s8], [sflag:$0x6] =	stream.indirect.gather @!p2 [hbm4b:s1+s3], $0x80, s10, s3, $0xb8;
	[tilespmem:$0x16400] =	vst v63  }
0x9e: {  	_ =	swait.ge [sflag:s13], $0x2000  }
0x9f: {  	[sflag:s13] =	ssyncset.done $0x0  }
0xa0: {  	s14 =	sadd.s32 $0x1800, s9;
	s16 =	simm.s32 $0x12400;
	[sflag:s13] =	ssyncadd.s32 $0xFFFFE000  }
0xa1: {  	[hbm4b:s14+s4] =	stream.linear.scatter [tilespmem:s16], [sflag:$0xF], $0x2000, $0x38;
	[tilespmem:$0x16400] =	vst v63  }
0xa2: {  	s19 =	sadd.s32 $0x800, s19;
	_ =	swait.ge [sflag:s15], $0x2000  }
0xa3: {  	p1 =	sne.s32 s19, $0x19000;
	s5 =	sadd.s32 @!p2 $0x380, s5;
	[sflag:s15] =	ssyncset.done $0x0  }
.Ltmp0:
0xa4: {  	s8 =	simm.s32 @!p2 $0x12400;
	[sflag:s15] =	ssyncadd.s32 $0xFFFFE000;
	(pc) =	sbr.rel @p1 .LBB2_2-.Ltmp0, $4  }
0xa5: {  	[tilespmem:s8], [sflag:$0x7] =	stream.indirect.gather @!p2 [hbm4b:s1+s3], $0x80, s5, s3, $0xb8;
	[tilespmem:$0x16400] =	vst v63  }
0xa6: {  	_ =	swait.ge [sflag:s17], $0x2000  }
0xa7: {  	[sflag:s17] =	ssyncset.done $0x0;
	s18 =	rddreg [dreg:$0x6]  }
0xa8: {  	[sflag:s17] =	ssyncadd.s32 $0xFFFFE000;
	s3 =	sadd.s32 s6, s18;
	s6 =	sadd.s32 $0x2000, s6  }
0xa9: {  	[hbm4b:s3+s4] =	stream.linear.scatter [tilespmem:s21], [sflag:$0x10], $0x2000, $0x38;
	[tilespmem:$0x16400] =	vst v63  }
0xaa: {  	s3 =	simm.s32 @!p0 $0x10  }
0xab: {  	_ =	swait.ge @!p0 [sflag:s3], $0x2000  }
0xac: {  	s5 =	sshra.s32 s7, $0x2;
	[sflag:s3] =	ssyncset.done @!p0 $0x0  }
0xad: {  	s12 =	simm.s32 $0x40;
	s10 =	sadd.s32 $0x1C0, s5;
	[sflag:s3] =	ssyncadd.s32 @!p0 $0xFFFFE000  }
0xae: {  	[tilespmem:s21], [sflag:$0x8] =	stream.indirect.gather [hbm4b:s1+s12], $0x80, s10, s12, $0xb8;
	[tilespmem:$0x16400] =	vst v63  }
0xaf: {  	_ =	swait.ge [sflag:s22], $0x2000  }
0xb0: {  	s14 =	rddreg [dreg:$0x4];
	[sflag:s22] =	ssyncset.done $0x0  }
0xb1: {  	s16 =	simm.s32 $0x6400;
	[sflag:s22] =	ssyncadd.s32 $0xFFFFE000;
	s3 =	sadd.s32 s6, s14  }
0xb2: {  	[hbm4b:s3+s4] =	stream.linear.scatter [tilespmem:s16], [sflag:$0x9], $0x2000, $0x38;
	[tilespmem:$0x16400] =	vst v63  }
0xb3: {  	p0 =	seq.s32 s7, $0x18800;
	_ =	swait.ge [sflag:s23], $0x2000  }
0xb4: {  	s5 =	simm.s32 @!p0 $0x40;
	s3 =	sshra.s32 @!p0 s7, $0x2;
	[sflag:s23] =	ssyncset.done $0x0  }
0xb5: {  	s7 =	simm.s32 @!p0 $0x6400;
	s8 =	sadd.s32 @!p0 $0x200, s3;
	[sflag:s23] =	ssyncadd.s32 $0xFFFFE000  }
0xb6: {  	[tilespmem:s7], [sflag:$0x1] =	stream.indirect.gather @!p0 [hbm4b:s1+s5], $0x80, s8, s5, $0xb8;
	[tilespmem:$0x16400] =	vst v63  }
0xb7: {  	_ =	swait.ge [sflag:s24], $0x2000  }
0xb8: {  	s18 =	rddreg [dreg:$0x5]  }
0xb9: {  	[sflag:s24] =	ssyncset.done $0x0;
	s7 =	sadd.s32 s6, s18  }
0xba: {  	s9 =	simm.s32 $0x8400;
	[sflag:s24] =	ssyncadd.s32 $0xFFFFE000;
	s19 =	sadd.s32 $0x400, s7  }
0xbb: {  	[hbm4b:s19+s4] =	stream.linear.scatter [tilespmem:s9], [sflag:$0xA], $0x2000, $0x38;
	[tilespmem:$0x16400] =	vst v63  }
0xbc: {  	_ =	swait.ge [sflag:s25], $0x2000  }
0xbd: {  	[sflag:s25] =	ssyncset.done $0x0  }
0xbe: {  	s8 =	sadd.s32 @!p0 $0x240, s3;
	s9 =	simm.s32 @!p0 $0x8400;
	[sflag:s25] =	ssyncadd.s32 $0xFFFFE000  }
0xbf: {  	[tilespmem:s9], [sflag:$0x2] =	stream.indirect.gather @!p0 [hbm4b:s1+s5], $0x80, s8, s5, $0xb8;
	[tilespmem:$0x16400] =	vst v63  }
0xc0: {  	_ =	swait.ge [sflag:s26], $0x2000  }
0xc1: {  	[sflag:s26] =	ssyncset.done $0x0  }
0xc2: {  	s12 =	simm.s32 $0xA400;
	s10 =	sadd.s32 $0x800, s7;
	[sflag:s26] =	ssyncadd.s32 $0xFFFFE000  }
0xc3: {  	[hbm4b:s10+s4] =	stream.linear.scatter [tilespmem:s12], [sflag:$0xB], $0x2000, $0x38;
	[tilespmem:$0x16400] =	vst v63  }
0xc4: {  	_ =	swait.ge [sflag:s28], $0x2000  }
0xc5: {  	[sflag:s28] =	ssyncset.done $0x0  }
0xc6: {  	s8 =	sadd.s32 @!p0 $0x280, s3;
	s9 =	simm.s32 @!p0 $0xA400;
	[sflag:s28] =	ssyncadd.s32 $0xFFFFE000  }
0xc7: {  	[tilespmem:s9], [sflag:$0x3] =	stream.indirect.gather @!p0 [hbm4b:s1+s5], $0x80, s8, s5, $0xb8;
	[tilespmem:$0x16400] =	vst v63  }
0xc8: {  	_ =	swait.ge [sflag:s29], $0x2000  }
0xc9: {  	[sflag:s29] =	ssyncset.done $0x0  }
0xca: {  	s16 =	simm.s32 $0xC400;
	s14 =	sadd.s32 $0xC00, s7;
	[sflag:s29] =	ssyncadd.s32 $0xFFFFE000  }
0xcb: {  	[hbm4b:s14+s4] =	stream.linear.scatter [tilespmem:s16], [sflag:$0xC], $0x2000, $0x38;
	[tilespmem:$0x16400] =	vst v63  }
0xcc: {  	_ =	swait.ge [sflag:s30], $0x2000  }
0xcd: {  	[sflag:s30] =	ssyncset.done $0x0  }
0xce: {  	s8 =	sadd.s32 @!p0 $0x2C0, s3;
	s9 =	simm.s32 @!p0 $0xC400;
	[sflag:s30] =	ssyncadd.s32 $0xFFFFE000  }
0xcf: {  	[tilespmem:s9], [sflag:$0x4] =	stream.indirect.gather @!p0 [hbm4b:s1+s5], $0x80, s8, s5, $0xb8;
	[tilespmem:$0x16400] =	vst v63  }
0xd0: {  	_ =	swait.ge [sflag:s31], $0x2000  }
0xd1: {  	[sflag:s31] =	ssyncset.done $0x0  }
0xd2: {  	s18 =	sadd.s32 $0x1000, s7;
	s19 =	simm.s32 $0xE400;
	[sflag:s31] =	ssyncadd.s32 $0xFFFFE000  }
0xd3: {  	[hbm4b:s18+s4] =	stream.linear.scatter [tilespmem:s19], [sflag:$0xD], $0x2000, $0x38;
	[tilespmem:$0x16400] =	vst v63  }
0xd4: {  	_ =	swait.ge [sflag:s2], $0x2000  }
0xd5: {  	[sflag:s2] =	ssyncset.done $0x0  }
0xd6: {  	s8 =	sadd.s32 @!p0 $0x300, s3;
	s9 =	simm.s32 @!p0 $0xE400;
	[sflag:s2] =	ssyncadd.s32 $0xFFFFE000  }
0xd7: {  	[tilespmem:s9], [sflag:$0x5] =	stream.indirect.gather @!p0 [hbm4b:s1+s5], $0x80, s8, s5, $0xb8;
	[tilespmem:$0x16400] =	vst v63  }
0xd8: {  	_ =	swait.ge [sflag:s0], $0x2000  }
0xd9: {  	[sflag:s0] =	ssyncset.done $0x0  }
0xda: {  	s10 =	simm.s32 $0x10400;
	s9 =	sadd.s32 $0x1400, s7;
	[sflag:s0] =	ssyncadd.s32 $0xFFFFE000  }
0xdb: {  	[hbm4b:s9+s4] =	stream.linear.scatter [tilespmem:s10], [sflag:$0xE], $0x2000, $0x38;
	[tilespmem:$0x16400] =	vst v63  }
0xdc: {  	_ =	swait.ge [sflag:s11], $0x2000  }
0xdd: {  	[sflag:s11] =	ssyncset.done $0x0  }
0xde: {  	s8 =	sadd.s32 @!p0 $0x340, s3;
	s9 =	simm.s32 @!p0 $0x10400;
	[sflag:s11] =	ssyncadd.s32 $0xFFFFE000  }
0xdf: {  	[tilespmem:s9], [sflag:$0x6] =	stream.indirect.gather @!p0 [hbm4b:s1+s5], $0x80, s8, s5, $0xb8;
	[tilespmem:$0x16400] =	vst v63  }
0xe0: {  	_ =	swait.ge [sflag:s13], $0x2000  }
0xe1: {  	[sflag:s13] =	ssyncset.done $0x0  }
0xe2: {  	s12 =	simm.s32 $0x12400;
	s7 =	sadd.s32 $0x1800, s7;
	[sflag:s13] =	ssyncadd.s32 $0xFFFFE000  }
0xe3: {  	[hbm4b:s7+s4] =	stream.linear.scatter [tilespmem:s12], [sflag:$0xF], $0x2000, $0x38;
	[tilespmem:$0x16400] =	vst v63  }
0xe4: {  	_ =	swait.ge [sflag:s15], $0x2000  }
0xe5: {  	[sflag:s15] =	ssyncset.done $0x0  }
0xe6: {  	s3 =	sadd.s32 @!p0 $0x380, s3;
	s7 =	simm.s32 @!p0 $0x12400;
	[sflag:s15] =	ssyncadd.s32 $0xFFFFE000  }
0xe7: {  	[tilespmem:s7], [sflag:$0x7] =	stream.indirect.gather @!p0 [hbm4b:s1+s5], $0x80, s3, s5, $0xb8;
	[tilespmem:$0x16400] =	vst v63  }
0xe8: {  	_ =	swait.ge [sflag:s17], $0x2000  }
0xe9: {  	s14 =	rddreg [dreg:$0x6];
	[sflag:s17] =	ssyncset.done $0x0  }
0xea: {  	s16 =	simm.s32 $0x10;
	s3 =	sadd.s32 s6, s14;
	[sflag:s17] =	ssyncadd.s32 $0xFFFFE000  }
0xeb: {  	[hbm4b:s3+s4] =	stream.linear.scatter [tilespmem:s21], [sflag:$0x10], $0x2000, $0x38;
	[tilespmem:$0x16400] =	vst v63  }
0xec: {  	_ =	swait.ge [sflag:s16], $0x2000  }
0xed: {  	s18 =	rddreg [dreg:$0x9]  }
0xee: {  	s19 =	rddreg [dreg:$0x8];
	s6 =	sadd.s32 $0x1, s18  }
0xef: {  	p0 =	sne.s32 s6, s19  }
.Ltmp1:
0xf0: {  	_ = 	snop;
	(pc) =	sbr.rel @p0 .LBB2_1-.Ltmp1, $3  }
0xf1: {  	_ =	sdelay $0x1  }
0xf2: {  	[sflag:s16] =	ssyncset.done $0x0  }
0xf3: {  	[sflag:s16] =	ssyncadd.s32 $0xFFFFE000  }
0xf4: {  	_ =	sfence.sel $0x180000  }
0xf5: {  	[bflag:$0x0] =	sbarrier.arrive $0xFFFF  }
0xf6: {  	_ =	strace $0x90000047  }
0xf7: {  	s0 =	stileid.u32;
	[bflag:$0x2] =	sbarrier.arrive $0xFFFF  }
0xf8: {  	p0 =	sne.s32 s0, $0x0;
	s0 =	rddreg [dreg:$0x3]  }
0xf9: {  	s0 =	sadd.s32 @!p0 $0x100000, s0  }
0xfa: {  	[sflag:s0] =	ssyncadd.tile.s32 @!p0 $0x1;
	_ =	shalt  }
.Lfunc_end2:
_tile_overlayer_lowered:
.L_overlay_start_2:
0xfb: {  	(tag) =	ssettag $0x2  }
0xfc: {  	s0 =	rddreg [dreg:$0x0];
	s2 =	stileid.u32  }
0xfd: {  	s1 =	rddreg [dreg:$0x1];
	p0 =	sne.s32 s2, $0x0  }
0xfe: {  	s3 =	rddreg [dreg:$0x2];
	[bflag:$0x3] =	sbarrier.arrive $0xFFFF;
	s2 =	simm.s32 @!p0 $0x1C11  }
0xff: {  	[timem:s3], [sflag:s2] =	dma.local @!p0 [hbm:s0], s1  }
0x100: {  	s0 =	simm.s32 @!p0 $0x11  }
0x101: {  	_ =	swait.ge @!p0 [sflag:s0], s1  }
0x102: {  	s1 =	ssub.s32 @!p0 $0x0, s1;
	[sflag:s0] =	ssyncset.done @!p0 $0x0  }
0x103: {  	[sflag:s0] =	ssyncadd.s32 @!p0 s1  }
0x104: {  	[bflag:$0x3] =	sbarrier.arrive $0xFFFF  }
0x105: {  	_ =	shalt  }

</sc_bundles>
